<compile_context>
chip_gen: v7x
topology: tpu7x:2x2x1
jax: 0.10.2.dev20260603
libtpu: 0.0.44.dev20260713+nightly
codegen_flags: <defaults>
</compile_context>

<pallas_src>
import functools
from typing import Sequence

import jax
import jax.numpy as jnp
from jax import lax
from jax.experimental import pallas as pl
from jax.experimental.pallas import tpu as pltpu
from jax.experimental.pallas import tpu_sc as plsc

_NPOINTS = [1024, 256, 64, 16]
_RADII = [0.1, 0.2, 0.4, 0.8]
_NSAMPLE = 32




def _fps_body(x_ref, y_ref, z_ref, d0_ref, out_ref, *, npoint):
    x = x_ref[...]
    y = y_ref[...]
    z = z_ref[...]
    B, R, L = x.shape
    flat = (
        lax.broadcasted_iota(jnp.int32, (B, R, L), 1) * L
        + lax.broadcasted_iota(jnp.int32, (B, R, L), 2)
    )
    big = jnp.int32(R * L)

    def body(i, carry):
        dists, fa = carry
        out_ref[pl.ds(i, 1), :, :] = jnp.broadcast_to(
            jnp.transpose(fa, (1, 0, 2)), (1, B, 128)
        )
        sel = flat == fa
        cx = jnp.sum(jnp.where(sel, x, 0.0), axis=(1, 2), keepdims=True)
        cy = jnp.sum(jnp.where(sel, y, 0.0), axis=(1, 2), keepdims=True)
        cz = jnp.sum(jnp.where(sel, z, 0.0), axis=(1, 2), keepdims=True)
        dx = x - cx
        dy = y - cy
        dz = z - cz
        d = dx * dx + dy * dy + dz * dz
        dists = jnp.minimum(dists, d)
        m = jnp.max(dists, axis=(1, 2), keepdims=True)
        cand = jnp.where(dists == m, flat, big)
        fa = jnp.min(cand, axis=(1, 2), keepdims=True)
        return dists, fa

    fa0 = jnp.zeros((B, 1, 1), jnp.int32)
    lax.fori_loop(0, npoint, body, (d0_ref[...], fa0), unroll=False)


def _fps(xyz, npoint):
    B, N, _ = xyz.shape
    L = 128
    Np = max(L, ((N + L - 1) // L) * L)
    R = Np // L
    pad = Np - N
    if pad:
        xyzp = jnp.pad(xyz, ((0, 0), (0, pad), (0, 0)), constant_values=1e3)
    else:
        xyzp = xyz
    x = xyzp[..., 0].reshape(B, R, L)
    y = xyzp[..., 1].reshape(B, R, L)
    z = xyzp[..., 2].reshape(B, R, L)
    iota = jnp.arange(Np).reshape(1, R, L)
    d0 = jnp.where(iota < N, jnp.full((), 1e10, jnp.float32), -1.0)
    d0 = jnp.broadcast_to(d0, (B, R, L)).astype(jnp.float32)
    out = pl.pallas_call(
        functools.partial(_fps_body, npoint=npoint),
        out_shape=jax.ShapeDtypeStruct((npoint, B, 128), jnp.int32),
    )(x, y, z, d0)
    return jnp.transpose(out[:, :, 0], (1, 0))




def _bq_body(cx_ref, cy_ref, cz_ref, x_ref, y_ref, z_ref, out_ref, *, r2, n, k):
    cx = cx_ref[0]
    cy = cy_ref[0]
    cz = cz_ref[0]
    x = x_ref[0]
    y = y_ref[0]
    z = z_ref[0]
    dx = cx - x
    dy = cy - y
    dz = cz - z
    d = dx * dx + dy * dy + dz * dz
    Sb, Np = d.shape
    iota = lax.broadcasted_iota(jnp.int32, (Sb, Np), 1)
    big = jnp.int32(n)
    cand = jnp.where((d <= r2) & (iota < n), iota, big)
    first = jnp.min(cand, axis=1, keepdims=True)
    cand = jnp.where(cand == first, big, cand)
    out = jnp.broadcast_to(first, (Sb, k))
    kiota = lax.broadcasted_iota(jnp.int32, (Sb, k), 1)

    def cond(c):
        j, _, _, done = c
        return jnp.logical_and(j < k, jnp.logical_not(done))

    def body(c):
        j, cand, out, _ = c
        m = jnp.min(cand, axis=1, keepdims=True)
        out = jnp.where((kiota == j) & (m < big), m, out)
        cand = jnp.where(cand == m, big, cand)
        done = jnp.min(m) >= big
        return j + 1, cand, out, done

    _, _, out, _ = lax.while_loop(
        cond, body, (jnp.int32(1), cand, out, jnp.min(first) >= big)
    )
    out_ref[0] = out


def _ball_query(radius, nsample, xyz, new_xyz):
    B, N, _ = xyz.shape
    S = new_xyz.shape[1]
    L = 128
    Np = max(L, ((N + L - 1) // L) * L)
    pad = Np - N
    xyzp = jnp.pad(xyz, ((0, 0), (0, pad), (0, 0))) if pad else xyz
    x = xyzp[..., 0].reshape(B, 1, Np)
    y = xyzp[..., 1].reshape(B, 1, Np)
    z = xyzp[..., 2].reshape(B, 1, Np)
    cx = new_xyz[..., 0:1]
    cy = new_xyz[..., 1:2]
    cz = new_xyz[..., 2:3]
    Sb = min(S, 128)
    grid = (B, S // Sb)
    cspec = pl.BlockSpec((1, Sb, 1), lambda b, s: (b, s, 0))
    pspec = pl.BlockSpec((1, 1, Np), lambda b, s: (b, 0, 0))
    out = pl.pallas_call(
        functools.partial(_bq_body, r2=radius * radius, n=N, k=nsample),
        grid=grid,
        in_specs=[cspec, cspec, cspec, pspec, pspec, pspec],
        out_specs=pl.BlockSpec((1, Sb, nsample), lambda b, s: (b, s, 0)),
        out_shape=jax.ShapeDtypeStruct((B, S, nsample), jnp.int32),
    )(cx, cy, cz, x, y, z)
    return out




def _sc_gather_rows(table, gidx):
    T, C = table.shape
    rows = gidx.shape[0]
    info = plsc.get_sparse_core_info()
    nw = info.num_cores * info.num_subcores
    nc = info.num_cores
    bpw = rows // nw
    chunk = min(128, bpw)
    nchunk = bpw // chunk
    idx3 = gidx.reshape(nw, nchunk, chunk)
    mesh = plsc.VectorSubcoreMesh(core_axis_name="c", subcore_axis_name="s")

    @functools.partial(
        pl.kernel,
        mesh=mesh,
        compiler_params=pltpu.CompilerParams(use_tc_tiling_on_sc=False),
        out_type=jax.ShapeDtypeStruct((rows, C), jnp.float32),
        scratch_types=[
            pltpu.VMEM((nchunk, chunk), jnp.int32),
            pltpu.VMEM((bpw, C), jnp.float32),
            pltpu.SemaphoreType.DMA,
        ],
    )
    def k(table_hbm, idx_hbm, out_hbm, idx_v, rows_v, sem):
        wid = lax.axis_index("s") * nc + lax.axis_index("c")
        base = wid * bpw
        pltpu.sync_copy(idx_hbm.at[wid], idx_v)

        def body(ci, _):
            pltpu.async_copy(
                table_hbm.at[idx_v.at[ci]],
                rows_v.at[pl.ds(ci * chunk, chunk)],
                sem,
            ).wait()
            return _

        lax.fori_loop(0, nchunk, body, 0, unroll=False)
        pltpu.sync_copy(rows_v, out_hbm.at[pl.ds(base, bpw)])

    return k(table, idx3)


def _group_gather(points, idx):
    B, N, C = points.shape
    _, S, K = idx.shape
    rows = B * S * K
    Cp = ((C + 15) // 16) * 16
    if rows % 256 != 0:
        return _gather(points, idx)
    p = points
    if Cp != C:
        p = jnp.pad(points, ((0, 0), (0, 0), (0, Cp - C)))
    gidx = (idx + (jnp.arange(B, dtype=jnp.int32) * N)[:, None, None]).reshape(-1)
    out = _sc_gather_rows(p.reshape(B * N, Cp), gidx)
    return out.reshape(B, S, K, Cp)[..., :C]


def _bn_relu(x, g, b):
    axes = tuple(range(x.ndim - 1))
    m = jnp.mean(x, axis=axes, keepdims=True)
    v = jnp.var(x, axis=axes, keepdims=True)
    return jax.nn.relu(g * (x - m) / jnp.sqrt(v + 1e-5) + b)


def _gather(points, idx):
    return jax.vmap(lambda p, i: p[i])(points, idx)


def _sa_stage(xyz, feats, npoint, radius, layers, use_xyz):
    fidx = _fps(xyz, npoint)
    new_xyz = _gather(xyz, fidx)
    idx = _ball_query(radius, _NSAMPLE, xyz, new_xyz)
    if feats is None:
        x = _group_gather(xyz, idx) - new_xyz[:, :, None, :]
    else:
        x = _group_gather(feats, idx)
    for (W, g, b) in layers:
        x = _bn_relu(x @ W, g, b)
    return new_xyz, jnp.max(x, axis=2)


def _fp_stage(unknown_xyz, known_xyz, unknown_feats, known_feats, layers):
    d = jnp.sum(
        (unknown_xyz[:, :, None, :] - known_xyz[:, None, :, :]) ** 2, axis=-1
    )
    neg, idx = lax.top_k(-d, 3)
    dist = jnp.sqrt(jnp.maximum(-neg, 0.0))
    w = 1.0 / (dist + 1e-8)
    w = w / jnp.sum(w, axis=-1, keepdims=True)
    gk = _gather(known_feats, idx)
    interp = jnp.sum(gk * w[..., None], axis=2)
    x = jnp.concatenate([interp, unknown_feats], axis=-1)
    for (W, g, b) in layers:
        x = _bn_relu(x @ W, g, b)
    return x


def kernel(pointcloud, sa_params, fp_params):
    pc = jnp.squeeze(pointcloud)
    xyz = pc[..., :3]
    l_xyz = [xyz]
    l_feats = [None]
    use_xyz = [True, False, False, False]
    for i in range(4):
        nx, nf = _sa_stage(
            l_xyz[i], l_feats[i], _NPOINTS[i], _RADII[i], sa_params[i], use_xyz[i]
        )
        l_xyz.append(nx)
        l_feats.append(nf)
    l_feats[3] = _fp_stage(l_xyz[3], l_xyz[4], l_feats[3], l_feats[4], fp_params[1])
    l_feats[2] = _fp_stage(l_xyz[2], l_xyz[3], l_feats[2], l_feats[3], fp_params[0])
    return tuple(jnp.transpose(f, (0, 2, 1)) for f in l_feats[1:])

# --- scband reference (transcript-rebuilt; emitter-appended) ---
"""Pipeline reference for scband-point-net3dvqa-8057358647400 (READ-ONLY COPY).

The authoritative reference and input builder live on the scoring server;
editing this copy changes nothing except your own understanding.
"""

import jax, jax.numpy as jnp
import numpy as np

NPOINTS = [1024, 256, 64, 16]
RADII = [0.1, 0.2, 0.4, 0.8]
NSAMPLE = 32
SA_MLPS = [[3, 32, 32, 64], [64, 64, 64, 128], [128, 128, 128, 256], [256, 256, 256, 512]]
USE_XYZ = [True, False, False, False]
FP_MLPS = [[384, 256, 256], [768, 256, 256]]


def _init_layer(key, cin, cout):
    W = jax.random.normal(key, (cin, cout), dtype=jnp.float32) * (1.0 / np.sqrt(cin))
    g = jnp.ones((cout,), jnp.float32)
    b = jnp.zeros((cout,), jnp.float32)
    return (W, g, b)


def setup_inputs(seed: int = 0):
    key = jax.random.key(seed)
    key, kpc = jax.random.split(key)
    pointcloud = jax.random.normal(kpc, (4, 8192, 3), dtype=jnp.float32)
    sa_params = []
    for mlp in SA_MLPS:
        layers = []
        for cin, cout in zip(mlp[:-1], mlp[1:]):
            key, sk = jax.random.split(key)
            layers.append(_init_layer(sk, cin, cout))
        sa_params.append(layers)
    fp_params = []
    for mlp in FP_MLPS:
        layers = []
        for cin, cout in zip(mlp[:-1], mlp[1:]):
            key, sk = jax.random.split(key)
            layers.append(_init_layer(sk, cin, cout))
        fp_params.append(layers)
    return {"pointcloud": pointcloud, "sa_params": sa_params, "fp_params": fp_params}


def _bn_relu(x, g, b):
    axes = tuple(range(x.ndim - 1))
    m = jnp.mean(x, axis=axes, keepdims=True)
    v = jnp.var(x, axis=axes, keepdims=True)
    return jax.nn.relu(g * (x - m) / jnp.sqrt(v + 1e-5) + b)


def _gather(points, idx):
    # points [B, N, C], idx [B, ...] -> [B, ..., C]
    return jax.vmap(lambda p, i: p[i])(points, idx)


def _fps(xyz, npoint):
    xyz = jax.lax.stop_gradient(xyz)
    B, N, _ = xyz.shape

    def body(i, state):
        idxs, dists, farthest = state
        idxs = idxs.at[:, i].set(farthest)
        centroid = xyz[jnp.arange(B), farthest][:, None, :]
        d = jnp.sum((xyz - centroid) ** 2, axis=-1)
        dists = jnp.minimum(dists, d)
        farthest = jnp.argmax(dists, axis=-1).astype(jnp.int32)
        return (idxs, dists, farthest)

    idxs = jnp.zeros((B, npoint), dtype=jnp.int32)
    dists = jnp.full((B, N), 1e10, dtype=jnp.float32)
    farthest = jnp.zeros((B,), dtype=jnp.int32)
    idxs, _, _ = jax.lax.fori_loop(0, npoint, body, (idxs, dists, farthest))
    return idxs


def _ball_query(radius, nsample, xyz, new_xyz):
    N = xyz.shape[1]
    sq = jnp.sum((jax.lax.stop_gradient(new_xyz)[:, :, None, :] - jax.lax.stop_gradient(xyz)[:, None, :, :]) ** 2, axis=-1)
    cand = jnp.where(sq <= radius ** 2, jnp.arange(N, dtype=jnp.int32)[None, None, :], jnp.int32(N))
    cand = jnp.sort(cand, axis=-1)[:, :, :nsample]
    first = cand[:, :, :1]
    idx = jnp.where(cand >= N, jnp.broadcast_to(first, cand.shape), cand)
    return idx


def _sa(xyz, feats, npoint, radius, layers, use_xyz):
    fidx = _fps(xyz, npoint)
    new_xyz = _gather(xyz, fidx)  # [B, S, 3]
    idx = _ball_query(radius, NSAMPLE, xyz, new_xyz)  # [B, S, K]
    grouped_xyz = _gather(xyz, idx) - new_xyz[:, :, None, :]
    if feats is None:
        x = grouped_xyz  # use_xyz=True, no extra features
    else:
        gf = _gather(feats, idx)
        x = jnp.concatenate([grouped_xyz, gf], axis=-1) if use_xyz else gf
    for (W, g, b) in layers:
        x = _bn_relu(x @ W, g, b)
    return new_xyz, jnp.max(x, axis=2)


def _fp(unknown_xyz, known_xyz, unknown_feats, known_feats, layers):
    d = jnp.sum((unknown_xyz[:, :, None, :] - known_xyz[:, None, :, :]) ** 2, axis=-1)
    neg, idx = jax.lax.top_k(-d, 3)
    dist = jnp.sqrt(jnp.maximum(-neg, 0.0))
    dist = jax.lax.stop_gradient(dist)  # three_nn is non-differentiable in pointnet2
    w = 1.0 / (dist + 1e-8)
    w = w / jnp.sum(w, axis=-1, keepdims=True)
    gk = _gather(known_feats, idx)  # [B, n, 3, C]
    interp = jnp.sum(gk * w[..., None], axis=2)
    x = jnp.concatenate([interp, unknown_feats], axis=-1)
    for (W, g, b) in layers:
        x = _bn_relu(x @ W, g, b)
    return x


def _forward(pointcloud, sa_params, fp_params):
    pc = jnp.squeeze(pointcloud)
    xyz = pc[..., :3]
    feats = None  # pc.size(-1) == 3
    l_xyz = [xyz]
    l_feats = [feats]
    for i in range(4):
        nx, nf = _sa(l_xyz[i], l_feats[i], NPOINTS[i], RADII[i], sa_params[i], USE_XYZ[i])
        l_xyz.append(nx)
        l_feats.append(nf)
    # FP loop: i=-1 uses FP_modules[-1] (768-in), i=-2 uses FP_modules[-2] (384-in)
    l_feats[3] = _fp(l_xyz[3], l_xyz[4], l_feats[3], l_feats[4], fp_params[1])
    l_feats[2] = _fp(l_xyz[2], l_xyz[3], l_feats[2], l_feats[3], fp_params[0])
    # original returns [None, f1, f2, f3, f4] in [B, C, N] layout; None omitted
    return tuple(jnp.transpose(f, (0, 2, 1)) for f in l_feats[1:])


def reference(pointcloud, sa_params, fp_params):
    return _forward(pointcloud, sa_params, fp_params)

if __name__ == "__main__":
    import jax
    _d = setup_inputs()
    print(jax.jit(kernel)(*tuple(_d.values())))

</pallas_src>

<mosaic_0001>
#map = affine_map<(d0, d1) -> (0, 0)>
#map1 = affine_map<(d0, d1) -> (0, 0, 0)>
module attributes {stable_mosaic.version = 14 : i64} {
  func.func @k(%arg0: i32, %arg1: i32, %arg2: memref<32768x16xf32, #tpu.memory_space<hbm>>, %arg3: memref<32x32x128xi32, #tpu.memory_space<hbm>>, %arg4: memref<131072x16xf32, #tpu.memory_space<hbm>>, %arg5: memref<32x128xi32, #tpu.memory_space<vmem>>, %arg6: memref<4096x16xf32, #tpu.memory_space<vmem>>, %arg7: memref<!tpu.dma_semaphore, #tpu.memory_space<semaphore_mem>>) attributes {dimension_semantics = [#tpu.dimension_semantics<core_parallel>, #tpu.dimension_semantics<subcore_parallel>], iteration_bounds = array<i64: 2, 16>, scalar_prefetch = 0 : i64, scratch_operands = 3 : i64, tpu.core_type = #tpu.core_type<sc_vector_subcore>, window_params = [{transform_indices = #map}, {transform_indices = #map1}, {transform_indices = #map}]} {
    %mul3A = arith.constant 2 : i32
    %mul3A_0 = arith.muli %arg1, %mul3A : i32
    %add3A = arith.addi %mul3A_0, %arg0 : i32
    %mul3A_1 = arith.constant 4096 : i32
    %mul3A_2 = arith.muli %add3A, %mul3A_1 : i32
    "tpu.region"() ({
      %run_scoped3A = tpu.sem_alloc : memref<!tpu.dma_semaphore, #tpu.memory_space<semaphore_mem>>
      %dma_start3A = arith.constant 0 : i32
      %dma_start3A_8 = arith.constant 0 : i32
      %dma_start3A_9 = tpu.memref_slice %arg3[%add3A, %dma_start3A, %dma_start3A_8] : memref<32x32x128xi32, #tpu.memory_space<hbm>> -> memref<1x32x128xi32, #tpu.memory_space<hbm>>
      %dma_start3A_10 = tpu.memref_squeeze %dma_start3A_9 : memref<1x32x128xi32, #tpu.memory_space<hbm>> -> memref<32x128xi32, #tpu.memory_space<hbm>>
      %dma_start3A_11 = arith.constant 0 : i32
      %dma_start3A_12 = arith.constant 0 : i32
      %dma_start3A_13 = tpu.memref_slice %arg3[%add3A, %dma_start3A_11, %dma_start3A_12] : memref<32x32x128xi32, #tpu.memory_space<hbm>> -> memref<1x32x128xi32, #tpu.memory_space<hbm>>
      %dma_start3A_14 = tpu.memref_squeeze %dma_start3A_13 : memref<1x32x128xi32, #tpu.memory_space<hbm>> -> memref<32x128xi32, #tpu.memory_space<hbm>>
      tpu.enqueue_dma source(%dma_start3A_14 : memref<32x128xi32, #tpu.memory_space<hbm>>) target(%arg5 : memref<32x128xi32, #tpu.memory_space<vmem>>) target_semaphore(%run_scoped3A : memref<!tpu.dma_semaphore, #tpu.memory_space<semaphore_mem>>)
      %dma_wait3A = arith.constant 0 : i32
      %dma_wait3A_15 = arith.constant 0 : i32
      %dma_wait3A_16 = tpu.memref_slice %arg3[%add3A, %dma_wait3A, %dma_wait3A_15] : memref<32x32x128xi32, #tpu.memory_space<hbm>> -> memref<1x32x128xi32, #tpu.memory_space<hbm>>
      %dma_wait3A_17 = tpu.memref_squeeze %dma_wait3A_16 : memref<1x32x128xi32, #tpu.memory_space<hbm>> -> memref<32x128xi32, #tpu.memory_space<hbm>>
      %dma_wait3A_18 = arith.constant 0 : i32
      %dma_wait3A_19 = arith.constant 0 : i32
      %dma_wait3A_20 = tpu.memref_slice %arg3[%add3A, %dma_wait3A_18, %dma_wait3A_19] : memref<32x32x128xi32, #tpu.memory_space<hbm>> -> memref<1x32x128xi32, #tpu.memory_space<hbm>>
      %dma_wait3A_21 = tpu.memref_squeeze %dma_wait3A_20 : memref<1x32x128xi32, #tpu.memory_space<hbm>> -> memref<32x128xi32, #tpu.memory_space<hbm>>
      tpu.wait_dma2 semaphore(%run_scoped3A : memref<!tpu.dma_semaphore, #tpu.memory_space<semaphore_mem>>) src(%dma_wait3A_21 : memref<32x128xi32, #tpu.memory_space<hbm>>) dst(%arg5 : memref<32x128xi32, #tpu.memory_space<vmem>>)
      tpu.yield
    }) : () -> ()
    %scan3A = arith.constant 0 : i32
    %scan3A_3 = arith.constant 0 : i32
    %scan3A_4 = arith.constant 32 : i32
    %scan3A_5 = arith.addi %scan3A_3, %scan3A_4 : i32
    %scan3A_6 = arith.constant 1 : i32
    scf.for %scan3A_8 = %scan3A_3 to %scan3A_5 step %scan3A_6  : i32 {
      %mul3A_9 = arith.constant 128 : i32
      %mul3A_10 = arith.muli %scan3A_8, %mul3A_9 : i32
      %dma_start3A = arith.constant 0 : i32
      %dma_start3A_11 = tpu.memref_slice %arg6[%mul3A_10, %dma_start3A] : memref<4096x16xf32, #tpu.memory_space<vmem>> -> memref<128x16xf32, #tpu.memory_space<vmem>>
      %dma_start3A_12 = arith.constant 0 : i32
      %dma_start3A_13 = tpu.memref_slice %arg5[%scan3A_8, %dma_start3A_12] : memref<32x128xi32, #tpu.memory_space<vmem>> -> memref<1x128xi32, #tpu.memory_space<vmem>>
      %dma_start3A_14 = tpu.memref_squeeze %dma_start3A_13 : memref<1x128xi32, #tpu.memory_space<vmem>> -> memref<128xi32, #tpu.memory_space<vmem>>
      %dma_start3A_15 = arith.constant 0 : i32
      %dma_start3A_16 = arith.constant 0 : i32
      %dma_start3A_17 = tpu.memref_slice %arg2[%dma_start3A_15, %dma_start3A_16] : memref<32768x16xf32, #tpu.memory_space<hbm>> -> memref<32768x16xf32, #tpu.memory_space<hbm>>
      tpu.enqueue_indirect_dma source(%dma_start3A_17 : memref<32768x16xf32, #tpu.memory_space<hbm>>) target(%dma_start3A_11 : memref<128x16xf32, #tpu.memory_space<vmem>>) offsets(%dma_start3A_14 : memref<128xi32, #tpu.memory_space<vmem>>) semaphore(%arg7 : memref<!tpu.dma_semaphore, #tpu.memory_space<semaphore_mem>>)
      %dma_wait3A = arith.constant 0 : i32
      %dma_wait3A_18 = tpu.memref_slice %arg6[%mul3A_10, %dma_wait3A] : memref<4096x16xf32, #tpu.memory_space<vmem>> -> memref<128x16xf32, #tpu.memory_space<vmem>>
      %dma_wait3A_19 = arith.constant 0 : i32
      %dma_wait3A_20 = tpu.memref_slice %arg5[%scan3A_8, %dma_wait3A_19] : memref<32x128xi32, #tpu.memory_space<vmem>> -> memref<1x128xi32, #tpu.memory_space<vmem>>
      %dma_wait3A_21 = tpu.memref_squeeze %dma_wait3A_20 : memref<1x128xi32, #tpu.memory_space<vmem>> -> memref<128xi32, #tpu.memory_space<vmem>>
      %dma_wait3A_22 = arith.constant 0 : i32
      %dma_wait3A_23 = arith.constant 0 : i32
      %dma_wait3A_24 = tpu.memref_slice %arg2[%dma_wait3A_22, %dma_wait3A_23] : memref<32768x16xf32, #tpu.memory_space<hbm>> -> memref<32768x16xf32, #tpu.memory_space<hbm>>
      tpu.wait_indirect_dma semaphore(%arg7 : memref<!tpu.dma_semaphore, #tpu.memory_space<semaphore_mem>>) src(%dma_wait3A_24 : memref<32768x16xf32, #tpu.memory_space<hbm>>) dst(%dma_wait3A_18 : memref<128x16xf32, #tpu.memory_space<vmem>>)
    }
    %scan3A_7 = arith.constant 32 : i32
    "tpu.region"() ({
      %run_scoped3A = tpu.sem_alloc : memref<!tpu.dma_semaphore, #tpu.memory_space<semaphore_mem>>
      %dma_start3A = arith.constant 0 : i32
      %dma_start3A_8 = tpu.memref_slice %arg4[%mul3A_2, %dma_start3A] : memref<131072x16xf32, #tpu.memory_space<hbm>> -> memref<4096x16xf32, #tpu.memory_space<hbm>>
      %dma_start3A_9 = arith.constant 0 : i32
      %dma_start3A_10 = tpu.memref_slice %arg4[%mul3A_2, %dma_start3A_9] : memref<131072x16xf32, #tpu.memory_space<hbm>> -> memref<4096x16xf32, #tpu.memory_space<hbm>>
      tpu.enqueue_dma source(%arg6 : memref<4096x16xf32, #tpu.memory_space<vmem>>) target(%dma_start3A_10 : memref<4096x16xf32, #tpu.memory_space<hbm>>) target_semaphore(%run_scoped3A : memref<!tpu.dma_semaphore, #tpu.memory_space<semaphore_mem>>)
      %dma_wait3A = arith.constant 0 : i32
      %dma_wait3A_11 = tpu.memref_slice %arg4[%mul3A_2, %dma_wait3A] : memref<131072x16xf32, #tpu.memory_space<hbm>> -> memref<4096x16xf32, #tpu.memory_space<hbm>>
      %dma_wait3A_12 = arith.constant 0 : i32
      %dma_wait3A_13 = tpu.memref_slice %arg4[%mul3A_2, %dma_wait3A_12] : memref<131072x16xf32, #tpu.memory_space<hbm>> -> memref<4096x16xf32, #tpu.memory_space<hbm>>
      tpu.wait_dma2 semaphore(%run_scoped3A : memref<!tpu.dma_semaphore, #tpu.memory_space<semaphore_mem>>) src(%arg6 : memref<4096x16xf32, #tpu.memory_space<vmem>>) dst(%dma_wait3A_13 : memref<4096x16xf32, #tpu.memory_space<hbm>>)
      tpu.yield
    }) : () -> ()
    return
  }
}

#map = affine_map<(d0, d1) -> (0, 0)>
#map1 = affine_map<(d0, d1) -> (0, 0, 0)>
module attributes {stable_mosaic.version = 14 : i64} {
  func.func @k(%arg0: i32, %arg1: i32, %arg2: memref<4096x64xf32, #tpu.memory_space<hbm>>, %arg3: memref<32x8x128xi32, #tpu.memory_space<hbm>>, %arg4: memref<32768x64xf32, #tpu.memory_space<hbm>>, %arg5: memref<8x128xi32, #tpu.memory_space<vmem>>, %arg6: memref<1024x64xf32, #tpu.memory_space<vmem>>, %arg7: memref<!tpu.dma_semaphore, #tpu.memory_space<semaphore_mem>>) attributes {dimension_semantics = [#tpu.dimension_semantics<core_parallel>, #tpu.dimension_semantics<subcore_parallel>], iteration_bounds = array<i64: 2, 16>, scalar_prefetch = 0 : i64, scratch_operands = 3 : i64, tpu.core_type = #tpu.core_type<sc_vector_subcore>, window_params = [{transform_indices = #map}, {transform_indices = #map1}, {transform_indices = #map}]} {
    %mul3A = arith.constant 2 : i32
    %mul3A_0 = arith.muli %arg1, %mul3A : i32
    %add3A = arith.addi %mul3A_0, %arg0 : i32
    %mul3A_1 = arith.constant 1024 : i32
    %mul3A_2 = arith.muli %add3A, %mul3A_1 : i32
    "tpu.region"() ({
      %run_scoped3A = tpu.sem_alloc : memref<!tpu.dma_semaphore, #tpu.memory_space<semaphore_mem>>
      %dma_start3A = arith.constant 0 : i32
      %dma_start3A_8 = arith.constant 0 : i32
      %dma_start3A_9 = tpu.memref_slice %arg3[%add3A, %dma_start3A, %dma_start3A_8] : memref<32x8x128xi32, #tpu.memory_space<hbm>> -> memref<1x8x128xi32, #tpu.memory_space<hbm>>
      %dma_start3A_10 = tpu.memref_squeeze %dma_start3A_9 : memref<1x8x128xi32, #tpu.memory_space<hbm>> -> memref<8x128xi32, #tpu.memory_space<hbm>>
      %dma_start3A_11 = arith.constant 0 : i32
      %dma_start3A_12 = arith.constant 0 : i32
      %dma_start3A_13 = tpu.memref_slice %arg3[%add3A, %dma_start3A_11, %dma_start3A_12] : memref<32x8x128xi32, #tpu.memory_space<hbm>> -> memref<1x8x128xi32, #tpu.memory_space<hbm>>
      %dma_start3A_14 = tpu.memref_squeeze %dma_start3A_13 : memref<1x8x128xi32, #tpu.memory_space<hbm>> -> memref<8x128xi32, #tpu.memory_space<hbm>>
      tpu.enqueue_dma source(%dma_start3A_14 : memref<8x128xi32, #tpu.memory_space<hbm>>) target(%arg5 : memref<8x128xi32, #tpu.memory_space<vmem>>) target_semaphore(%run_scoped3A : memref<!tpu.dma_semaphore, #tpu.memory_space<semaphore_mem>>)
      %dma_wait3A = arith.constant 0 : i32
      %dma_wait3A_15 = arith.constant 0 : i32
      %dma_wait3A_16 = tpu.memref_slice %arg3[%add3A, %dma_wait3A, %dma_wait3A_15] : memref<32x8x128xi32, #tpu.memory_space<hbm>> -> memref<1x8x128xi32, #tpu.memory_space<hbm>>
      %dma_wait3A_17 = tpu.memref_squeeze %dma_wait3A_16 : memref<1x8x128xi32, #tpu.memory_space<hbm>> -> memref<8x128xi32, #tpu.memory_space<hbm>>
      %dma_wait3A_18 = arith.constant 0 : i32
      %dma_wait3A_19 = arith.constant 0 : i32
      %dma_wait3A_20 = tpu.memref_slice %arg3[%add3A, %dma_wait3A_18, %dma_wait3A_19] : memref<32x8x128xi32, #tpu.memory_space<hbm>> -> memref<1x8x128xi32, #tpu.memory_space<hbm>>
      %dma_wait3A_21 = tpu.memref_squeeze %dma_wait3A_20 : memref<1x8x128xi32, #tpu.memory_space<hbm>> -> memref<8x128xi32, #tpu.memory_space<hbm>>
      tpu.wait_dma2 semaphore(%run_scoped3A : memref<!tpu.dma_semaphore, #tpu.memory_space<semaphore_mem>>) src(%dma_wait3A_21 : memref<8x128xi32, #tpu.memory_space<hbm>>) dst(%arg5 : memref<8x128xi32, #tpu.memory_space<vmem>>)
      tpu.yield
    }) : () -> ()
    %scan3A = arith.constant 0 : i32
    %scan3A_3 = arith.constant 0 : i32
    %scan3A_4 = arith.constant 8 : i32
    %scan3A_5 = arith.addi %scan3A_3, %scan3A_4 : i32
    %scan3A_6 = arith.constant 1 : i32
    scf.for %scan3A_8 = %scan3A_3 to %scan3A_5 step %scan3A_6  : i32 {
      %mul3A_9 = arith.constant 128 : i32
      %mul3A_10 = arith.muli %scan3A_8, %mul3A_9 : i32
      %dma_start3A = arith.constant 0 : i32
      %dma_start3A_11 = tpu.memref_slice %arg6[%mul3A_10, %dma_start3A] : memref<1024x64xf32, #tpu.memory_space<vmem>> -> memref<128x64xf32, #tpu.memory_space<vmem>>
      %dma_start3A_12 = arith.constant 0 : i32
      %dma_start3A_13 = tpu.memref_slice %arg5[%scan3A_8, %dma_start3A_12] : memref<8x128xi32, #tpu.memory_space<vmem>> -> memref<1x128xi32, #tpu.memory_space<vmem>>
      %dma_start3A_14 = tpu.memref_squeeze %dma_start3A_13 : memref<1x128xi32, #tpu.memory_space<vmem>> -> memref<128xi32, #tpu.memory_space<vmem>>
      %dma_start3A_15 = arith.constant 0 : i32
      %dma_start3A_16 = arith.constant 0 : i32
      %dma_start3A_17 = tpu.memref_slice %arg2[%dma_start3A_15, %dma_start3A_16] : memref<4096x64xf32, #tpu.memory_space<hbm>> -> memref<4096x64xf32, #tpu.memory_space<hbm>>
      tpu.enqueue_indirect_dma source(%dma_start3A_17 : memref<4096x64xf32, #tpu.memory_space<hbm>>) target(%dma_start3A_11 : memref<128x64xf32, #tpu.memory_space<vmem>>) offsets(%dma_start3A_14 : memref<128xi32, #tpu.memory_space<vmem>>) semaphore(%arg7 : memref<!tpu.dma_semaphore, #tpu.memory_space<semaphore_mem>>)
      %dma_wait3A = arith.constant 0 : i32
      %dma_wait3A_18 = tpu.memref_slice %arg6[%mul3A_10, %dma_wait3A] : memref<1024x64xf32, #tpu.memory_space<vmem>> -> memref<128x64xf32, #tpu.memory_space<vmem>>
      %dma_wait3A_19 = arith.constant 0 : i32
      %dma_wait3A_20 = tpu.memref_slice %arg5[%scan3A_8, %dma_wait3A_19] : memref<8x128xi32, #tpu.memory_space<vmem>> -> memref<1x128xi32, #tpu.memory_space<vmem>>
      %dma_wait3A_21 = tpu.memref_squeeze %dma_wait3A_20 : memref<1x128xi32, #tpu.memory_space<vmem>> -> memref<128xi32, #tpu.memory_space<vmem>>
      %dma_wait3A_22 = arith.constant 0 : i32
      %dma_wait3A_23 = arith.constant 0 : i32
      %dma_wait3A_24 = tpu.memref_slice %arg2[%dma_wait3A_22, %dma_wait3A_23] : memref<4096x64xf32, #tpu.memory_space<hbm>> -> memref<4096x64xf32, #tpu.memory_space<hbm>>
      tpu.wait_indirect_dma semaphore(%arg7 : memref<!tpu.dma_semaphore, #tpu.memory_space<semaphore_mem>>) src(%dma_wait3A_24 : memref<4096x64xf32, #tpu.memory_space<hbm>>) dst(%dma_wait3A_18 : memref<128x64xf32, #tpu.memory_space<vmem>>)
    }
    %scan3A_7 = arith.constant 8 : i32
    "tpu.region"() ({
      %run_scoped3A = tpu.sem_alloc : memref<!tpu.dma_semaphore, #tpu.memory_space<semaphore_mem>>
      %dma_start3A = arith.constant 0 : i32
      %dma_start3A_8 = tpu.memref_slice %arg4[%mul3A_2, %dma_start3A] : memref<32768x64xf32, #tpu.memory_space<hbm>> -> memref<1024x64xf32, #tpu.memory_space<hbm>>
      %dma_start3A_9 = arith.constant 0 : i32
      %dma_start3A_10 = tpu.memref_slice %arg4[%mul3A_2, %dma_start3A_9] : memref<32768x64xf32, #tpu.memory_space<hbm>> -> memref<1024x64xf32, #tpu.memory_space<hbm>>
      tpu.enqueue_dma source(%arg6 : memref<1024x64xf32, #tpu.memory_space<vmem>>) target(%dma_start3A_10 : memref<1024x64xf32, #tpu.memory_space<hbm>>) target_semaphore(%run_scoped3A : memref<!tpu.dma_semaphore, #tpu.memory_space<semaphore_mem>>)
      %dma_wait3A = arith.constant 0 : i32
      %dma_wait3A_11 = tpu.memref_slice %arg4[%mul3A_2, %dma_wait3A] : memref<32768x64xf32, #tpu.memory_space<hbm>> -> memref<1024x64xf32, #tpu.memory_space<hbm>>
      %dma_wait3A_12 = arith.constant 0 : i32
      %dma_wait3A_13 = tpu.memref_slice %arg4[%mul3A_2, %dma_wait3A_12] : memref<32768x64xf32, #tpu.memory_space<hbm>> -> memref<1024x64xf32, #tpu.memory_space<hbm>>
      tpu.wait_dma2 semaphore(%run_scoped3A : memref<!tpu.dma_semaphore, #tpu.memory_space<semaphore_mem>>) src(%arg6 : memref<1024x64xf32, #tpu.memory_space<vmem>>) dst(%dma_wait3A_13 : memref<1024x64xf32, #tpu.memory_space<hbm>>)
      tpu.yield
    }) : () -> ()
    return
  }
}

#map = affine_map<(d0, d1) -> (0, 0)>
#map1 = affine_map<(d0, d1) -> (0, 0, 0)>
module attributes {stable_mosaic.version = 14 : i64} {
  func.func @k(%arg0: i32, %arg1: i32, %arg2: memref<1024x128xf32, #tpu.memory_space<hbm>>, %arg3: memref<32x2x128xi32, #tpu.memory_space<hbm>>, %arg4: memref<8192x128xf32, #tpu.memory_space<hbm>>, %arg5: memref<2x128xi32, #tpu.memory_space<vmem>>, %arg6: memref<256x128xf32, #tpu.memory_space<vmem>>, %arg7: memref<!tpu.dma_semaphore, #tpu.memory_space<semaphore_mem>>) attributes {dimension_semantics = [#tpu.dimension_semantics<core_parallel>, #tpu.dimension_semantics<subcore_parallel>], iteration_bounds = array<i64: 2, 16>, scalar_prefetch = 0 : i64, scratch_operands = 3 : i64, tpu.core_type = #tpu.core_type<sc_vector_subcore>, window_params = [{transform_indices = #map}, {transform_indices = #map1}, {transform_indices = #map}]} {
    %mul3A = arith.constant 2 : i32
    %mul3A_0 = arith.muli %arg1, %mul3A : i32
    %add3A = arith.addi %mul3A_0, %arg0 : i32
    %mul3A_1 = arith.constant 256 : i32
    %mul3A_2 = arith.muli %add3A, %mul3A_1 : i32
    "tpu.region"() ({
      %run_scoped3A = tpu.sem_alloc : memref<!tpu.dma_semaphore, #tpu.memory_space<semaphore_mem>>
      %dma_start3A = arith.constant 0 : i32
      %dma_start3A_8 = arith.constant 0 : i32
      %dma_start3A_9 = tpu.memref_slice %arg3[%add3A, %dma_start3A, %dma_start3A_8] : memref<32x2x128xi32, #tpu.memory_space<hbm>> -> memref<1x2x128xi32, #tpu.memory_space<hbm>>
      %dma_start3A_10 = tpu.memref_squeeze %dma_start3A_9 : memref<1x2x128xi32, #tpu.memory_space<hbm>> -> memref<2x128xi32, #tpu.memory_space<hbm>>
      %dma_start3A_11 = arith.constant 0 : i32
      %dma_start3A_12 = arith.constant 0 : i32
      %dma_start3A_13 = tpu.memref_slice %arg3[%add3A, %dma_start3A_11, %dma_start3A_12] : memref<32x2x128xi32, #tpu.memory_space<hbm>> -> memref<1x2x128xi32, #tpu.memory_space<hbm>>
      %dma_start3A_14 = tpu.memref_squeeze %dma_start3A_13 : memref<1x2x128xi32, #tpu.memory_space<hbm>> -> memref<2x128xi32, #tpu.memory_space<hbm>>
      tpu.enqueue_dma source(%dma_start3A_14 : memref<2x128xi32, #tpu.memory_space<hbm>>) target(%arg5 : memref<2x128xi32, #tpu.memory_space<vmem>>) target_semaphore(%run_scoped3A : memref<!tpu.dma_semaphore, #tpu.memory_space<semaphore_mem>>)
      %dma_wait3A = arith.constant 0 : i32
      %dma_wait3A_15 = arith.constant 0 : i32
      %dma_wait3A_16 = tpu.memref_slice %arg3[%add3A, %dma_wait3A, %dma_wait3A_15] : memref<32x2x128xi32, #tpu.memory_space<hbm>> -> memref<1x2x128xi32, #tpu.memory_space<hbm>>
      %dma_wait3A_17 = tpu.memref_squeeze %dma_wait3A_16 : memref<1x2x128xi32, #tpu.memory_space<hbm>> -> memref<2x128xi32, #tpu.memory_space<hbm>>
      %dma_wait3A_18 = arith.constant 0 : i32
      %dma_wait3A_19 = arith.constant 0 : i32
      %dma_wait3A_20 = tpu.memref_slice %arg3[%add3A, %dma_wait3A_18, %dma_wait3A_19] : memref<32x2x128xi32, #tpu.memory_space<hbm>> -> memref<1x2x128xi32, #tpu.memory_space<hbm>>
      %dma_wait3A_21 = tpu.memref_squeeze %dma_wait3A_20 : memref<1x2x128xi32, #tpu.memory_space<hbm>> -> memref<2x128xi32, #tpu.memory_space<hbm>>
      tpu.wait_dma2 semaphore(%run_scoped3A : memref<!tpu.dma_semaphore, #tpu.memory_space<semaphore_mem>>) src(%dma_wait3A_21 : memref<2x128xi32, #tpu.memory_space<hbm>>) dst(%arg5 : memref<2x128xi32, #tpu.memory_space<vmem>>)
      tpu.yield
    }) : () -> ()
    %scan3A = arith.constant 0 : i32
    %scan3A_3 = arith.constant 0 : i32
    %scan3A_4 = arith.constant 2 : i32
    %scan3A_5 = arith.addi %scan3A_3, %scan3A_4 : i32
    %scan3A_6 = arith.constant 1 : i32
    scf.for %scan3A_8 = %scan3A_3 to %scan3A_5 step %scan3A_6  : i32 {
      %mul3A_9 = arith.constant 128 : i32
      %mul3A_10 = arith.muli %scan3A_8, %mul3A_9 : i32
      %dma_start3A = arith.constant 0 : i32
      %dma_start3A_11 = tpu.memref_slice %arg6[%mul3A_10, %dma_start3A] : memref<256x128xf32, #tpu.memory_space<vmem>> -> memref<128x128xf32, #tpu.memory_space<vmem>>
      %dma_start3A_12 = arith.constant 0 : i32
      %dma_start3A_13 = tpu.memref_slice %arg5[%scan3A_8, %dma_start3A_12] : memref<2x128xi32, #tpu.memory_space<vmem>> -> memref<1x128xi32, #tpu.memory_space<vmem>>
      %dma_start3A_14 = tpu.memref_squeeze %dma_start3A_13 : memref<1x128xi32, #tpu.memory_space<vmem>> -> memref<128xi32, #tpu.memory_space<vmem>>
      %dma_start3A_15 = arith.constant 0 : i32
      %dma_start3A_16 = arith.constant 0 : i32
      %dma_start3A_17 = tpu.memref_slice %arg2[%dma_start3A_15, %dma_start3A_16] : memref<1024x128xf32, #tpu.memory_space<hbm>> -> memref<1024x128xf32, #tpu.memory_space<hbm>>
      tpu.enqueue_indirect_dma source(%dma_start3A_17 : memref<1024x128xf32, #tpu.memory_space<hbm>>) target(%dma_start3A_11 : memref<128x128xf32, #tpu.memory_space<vmem>>) offsets(%dma_start3A_14 : memref<128xi32, #tpu.memory_space<vmem>>) semaphore(%arg7 : memref<!tpu.dma_semaphore, #tpu.memory_space<semaphore_mem>>)
      %dma_wait3A = arith.constant 0 : i32
      %dma_wait3A_18 = tpu.memref_slice %arg6[%mul3A_10, %dma_wait3A] : memref<256x128xf32, #tpu.memory_space<vmem>> -> memref<128x128xf32, #tpu.memory_space<vmem>>
      %dma_wait3A_19 = arith.constant 0 : i32
      %dma_wait3A_20 = tpu.memref_slice %arg5[%scan3A_8, %dma_wait3A_19] : memref<2x128xi32, #tpu.memory_space<vmem>> -> memref<1x128xi32, #tpu.memory_space<vmem>>
      %dma_wait3A_21 = tpu.memref_squeeze %dma_wait3A_20 : memref<1x128xi32, #tpu.memory_space<vmem>> -> memref<128xi32, #tpu.memory_space<vmem>>
      %dma_wait3A_22 = arith.constant 0 : i32
      %dma_wait3A_23 = arith.constant 0 : i32
      %dma_wait3A_24 = tpu.memref_slice %arg2[%dma_wait3A_22, %dma_wait3A_23] : memref<1024x128xf32, #tpu.memory_space<hbm>> -> memref<1024x128xf32, #tpu.memory_space<hbm>>
      tpu.wait_indirect_dma semaphore(%arg7 : memref<!tpu.dma_semaphore, #tpu.memory_space<semaphore_mem>>) src(%dma_wait3A_24 : memref<1024x128xf32, #tpu.memory_space<hbm>>) dst(%dma_wait3A_18 : memref<128x128xf32, #tpu.memory_space<vmem>>)
    }
    %scan3A_7 = arith.constant 2 : i32
    "tpu.region"() ({
      %run_scoped3A = tpu.sem_alloc : memref<!tpu.dma_semaphore, #tpu.memory_space<semaphore_mem>>
      %dma_start3A = arith.constant 0 : i32
      %dma_start3A_8 = tpu.memref_slice %arg4[%mul3A_2, %dma_start3A] : memref<8192x128xf32, #tpu.memory_space<hbm>> -> memref<256x128xf32, #tpu.memory_space<hbm>>
      %dma_start3A_9 = arith.constant 0 : i32
      %dma_start3A_10 = tpu.memref_slice %arg4[%mul3A_2, %dma_start3A_9] : memref<8192x128xf32, #tpu.memory_space<hbm>> -> memref<256x128xf32, #tpu.memory_space<hbm>>
      tpu.enqueue_dma source(%arg6 : memref<256x128xf32, #tpu.memory_space<vmem>>) target(%dma_start3A_10 : memref<256x128xf32, #tpu.memory_space<hbm>>) target_semaphore(%run_scoped3A : memref<!tpu.dma_semaphore, #tpu.memory_space<semaphore_mem>>)
      %dma_wait3A = arith.constant 0 : i32
      %dma_wait3A_11 = tpu.memref_slice %arg4[%mul3A_2, %dma_wait3A] : memref<8192x128xf32, #tpu.memory_space<hbm>> -> memref<256x128xf32, #tpu.memory_space<hbm>>
      %dma_wait3A_12 = arith.constant 0 : i32
      %dma_wait3A_13 = tpu.memref_slice %arg4[%mul3A_2, %dma_wait3A_12] : memref<8192x128xf32, #tpu.memory_space<hbm>> -> memref<256x128xf32, #tpu.memory_space<hbm>>
      tpu.wait_dma2 semaphore(%run_scoped3A : memref<!tpu.dma_semaphore, #tpu.memory_space<semaphore_mem>>) src(%arg6 : memref<256x128xf32, #tpu.memory_space<vmem>>) dst(%dma_wait3A_13 : memref<256x128xf32, #tpu.memory_space<hbm>>)
      tpu.yield
    }) : () -> ()
    return
  }
}

#map = affine_map<(d0, d1) -> (0, 0)>
#map1 = affine_map<(d0, d1) -> (0, 0, 0)>
module attributes {stable_mosaic.version = 14 : i64} {
  func.func @k(%arg0: i32, %arg1: i32, %arg2: memref<256x256xf32, #tpu.memory_space<hbm>>, %arg3: memref<32x1x64xi32, #tpu.memory_space<hbm>>, %arg4: memref<2048x256xf32, #tpu.memory_space<hbm>>, %arg5: memref<1x64xi32, #tpu.memory_space<vmem>>, %arg6: memref<64x256xf32, #tpu.memory_space<vmem>>, %arg7: memref<!tpu.dma_semaphore, #tpu.memory_space<semaphore_mem>>) attributes {dimension_semantics = [#tpu.dimension_semantics<core_parallel>, #tpu.dimension_semantics<subcore_parallel>], iteration_bounds = array<i64: 2, 16>, scalar_prefetch = 0 : i64, scratch_operands = 3 : i64, tpu.core_type = #tpu.core_type<sc_vector_subcore>, window_params = [{transform_indices = #map}, {transform_indices = #map1}, {transform_indices = #map}]} {
    %mul3A = arith.constant 2 : i32
    %mul3A_0 = arith.muli %arg1, %mul3A : i32
    %add3A = arith.addi %mul3A_0, %arg0 : i32
    %mul3A_1 = arith.constant 64 : i32
    %mul3A_2 = arith.muli %add3A, %mul3A_1 : i32
    "tpu.region"() ({
      %run_scoped3A = tpu.sem_alloc : memref<!tpu.dma_semaphore, #tpu.memory_space<semaphore_mem>>
      %dma_start3A_21 = arith.constant 0 : i32
      %dma_start3A_22 = arith.constant 0 : i32
      %dma_start3A_23 = tpu.memref_slice %arg3[%add3A, %dma_start3A_21, %dma_start3A_22] : memref<32x1x64xi32, #tpu.memory_space<hbm>> -> memref<1x1x64xi32, #tpu.memory_space<hbm>>
      %dma_start3A_24 = tpu.memref_squeeze %dma_start3A_23 : memref<1x1x64xi32, #tpu.memory_space<hbm>> -> memref<1x64xi32, #tpu.memory_space<hbm>>
      %dma_start3A_25 = arith.constant 0 : i32
      %dma_start3A_26 = arith.constant 0 : i32
      %dma_start3A_27 = tpu.memref_slice %arg3[%add3A, %dma_start3A_25, %dma_start3A_26] : memref<32x1x64xi32, #tpu.memory_space<hbm>> -> memref<1x1x64xi32, #tpu.memory_space<hbm>>
      %dma_start3A_28 = tpu.memref_squeeze %dma_start3A_27 : memref<1x1x64xi32, #tpu.memory_space<hbm>> -> memref<1x64xi32, #tpu.memory_space<hbm>>
      tpu.enqueue_dma source(%dma_start3A_28 : memref<1x64xi32, #tpu.memory_space<hbm>>) target(%arg5 : memref<1x64xi32, #tpu.memory_space<vmem>>) target_semaphore(%run_scoped3A : memref<!tpu.dma_semaphore, #tpu.memory_space<semaphore_mem>>)
      %dma_wait3A_29 = arith.constant 0 : i32
      %dma_wait3A_30 = arith.constant 0 : i32
      %dma_wait3A_31 = tpu.memref_slice %arg3[%add3A, %dma_wait3A_29, %dma_wait3A_30] : memref<32x1x64xi32, #tpu.memory_space<hbm>> -> memref<1x1x64xi32, #tpu.memory_space<hbm>>
      %dma_wait3A_32 = tpu.memref_squeeze %dma_wait3A_31 : memref<1x1x64xi32, #tpu.memory_space<hbm>> -> memref<1x64xi32, #tpu.memory_space<hbm>>
      %dma_wait3A_33 = arith.constant 0 : i32
      %dma_wait3A_34 = arith.constant 0 : i32
      %dma_wait3A_35 = tpu.memref_slice %arg3[%add3A, %dma_wait3A_33, %dma_wait3A_34] : memref<32x1x64xi32, #tpu.memory_space<hbm>> -> memref<1x1x64xi32, #tpu.memory_space<hbm>>
      %dma_wait3A_36 = tpu.memref_squeeze %dma_wait3A_35 : memref<1x1x64xi32, #tpu.memory_space<hbm>> -> memref<1x64xi32, #tpu.memory_space<hbm>>
      tpu.wait_dma2 semaphore(%run_scoped3A : memref<!tpu.dma_semaphore, #tpu.memory_space<semaphore_mem>>) src(%dma_wait3A_36 : memref<1x64xi32, #tpu.memory_space<hbm>>) dst(%arg5 : memref<1x64xi32, #tpu.memory_space<vmem>>)
      tpu.yield
    }) : () -> ()
    %scan3A = arith.constant 0 : i32
    %scan3A_3 = arith.constant 0 : i32
    %mul3A_4 = arith.constant 64 : i32
    %mul3A_5 = arith.muli %scan3A_3, %mul3A_4 : i32
    %dma_start3A = arith.constant 0 : i32
    %dma_start3A_6 = tpu.memref_slice %arg6[%mul3A_5, %dma_start3A] : memref<64x256xf32, #tpu.memory_space<vmem>> -> memref<64x256xf32, #tpu.memory_space<vmem>>
    %dma_start3A_7 = arith.constant 0 : i32
    %dma_start3A_8 = tpu.memref_slice %arg5[%scan3A_3, %dma_start3A_7] : memref<1x64xi32, #tpu.memory_space<vmem>> -> memref<1x64xi32, #tpu.memory_space<vmem>>
    %dma_start3A_9 = tpu.memref_squeeze %dma_start3A_8 : memref<1x64xi32, #tpu.memory_space<vmem>> -> memref<64xi32, #tpu.memory_space<vmem>>
    %dma_start3A_10 = arith.constant 0 : i32
    %dma_start3A_11 = arith.constant 0 : i32
    %dma_start3A_12 = tpu.memref_slice %arg2[%dma_start3A_10, %dma_start3A_11] : memref<256x256xf32, #tpu.memory_space<hbm>> -> memref<256x256xf32, #tpu.memory_space<hbm>>
    tpu.enqueue_indirect_dma source(%dma_start3A_12 : memref<256x256xf32, #tpu.memory_space<hbm>>) target(%dma_start3A_6 : memref<64x256xf32, #tpu.memory_space<vmem>>) offsets(%dma_start3A_9 : memref<64xi32, #tpu.memory_space<vmem>>) semaphore(%arg7 : memref<!tpu.dma_semaphore, #tpu.memory_space<semaphore_mem>>)
    %dma_wait3A = arith.constant 0 : i32
    %dma_wait3A_13 = tpu.memref_slice %arg6[%mul3A_5, %dma_wait3A] : memref<64x256xf32, #tpu.memory_space<vmem>> -> memref<64x256xf32, #tpu.memory_space<vmem>>
    %dma_wait3A_14 = arith.constant 0 : i32
    %dma_wait3A_15 = tpu.memref_slice %arg5[%scan3A_3, %dma_wait3A_14] : memref<1x64xi32, #tpu.memory_space<vmem>> -> memref<1x64xi32, #tpu.memory_space<vmem>>
    %dma_wait3A_16 = tpu.memref_squeeze %dma_wait3A_15 : memref<1x64xi32, #tpu.memory_space<vmem>> -> memref<64xi32, #tpu.memory_space<vmem>>
    %dma_wait3A_17 = arith.constant 0 : i32
    %dma_wait3A_18 = arith.constant 0 : i32
    %dma_wait3A_19 = tpu.memref_slice %arg2[%dma_wait3A_17, %dma_wait3A_18] : memref<256x256xf32, #tpu.memory_space<hbm>> -> memref<256x256xf32, #tpu.memory_space<hbm>>
    tpu.wait_indirect_dma semaphore(%arg7 : memref<!tpu.dma_semaphore, #tpu.memory_space<semaphore_mem>>) src(%dma_wait3A_19 : memref<256x256xf32, #tpu.memory_space<hbm>>) dst(%dma_wait3A_13 : memref<64x256xf32, #tpu.memory_space<vmem>>)
    %scan3A_20 = arith.constant 1 : i32
    "tpu.region"() ({
      %run_scoped3A = tpu.sem_alloc : memref<!tpu.dma_semaphore, #tpu.memory_space<semaphore_mem>>
      %dma_start3A_21 = arith.constant 0 : i32
      %dma_start3A_22 = tpu.memref_slice %arg4[%mul3A_2, %dma_start3A_21] : memref<2048x256xf32, #tpu.memory_space<hbm>> -> memref<64x256xf32, #tpu.memory_space<hbm>>
      %dma_start3A_23 = arith.constant 0 : i32
      %dma_start3A_24 = tpu.memref_slice %arg4[%mul3A_2, %dma_start3A_23] : memref<2048x256xf32, #tpu.memory_space<hbm>> -> memref<64x256xf32, #tpu.memory_space<hbm>>
      tpu.enqueue_dma source(%arg6 : memref<64x256xf32, #tpu.memory_space<vmem>>) target(%dma_start3A_24 : memref<64x256xf32, #tpu.memory_space<hbm>>) target_semaphore(%run_scoped3A : memref<!tpu.dma_semaphore, #tpu.memory_space<semaphore_mem>>)
      %dma_wait3A_25 = arith.constant 0 : i32
      %dma_wait3A_26 = tpu.memref_slice %arg4[%mul3A_2, %dma_wait3A_25] : memref<2048x256xf32, #tpu.memory_space<hbm>> -> memref<64x256xf32, #tpu.memory_space<hbm>>
      %dma_wait3A_27 = arith.constant 0 : i32
      %dma_wait3A_28 = tpu.memref_slice %arg4[%mul3A_2, %dma_wait3A_27] : memref<2048x256xf32, #tpu.memory_space<hbm>> -> memref<64x256xf32, #tpu.memory_space<hbm>>
      tpu.wait_dma2 semaphore(%run_scoped3A : memref<!tpu.dma_semaphore, #tpu.memory_space<semaphore_mem>>) src(%arg6 : memref<64x256xf32, #tpu.memory_space<vmem>>) dst(%dma_wait3A_28 : memref<64x256xf32, #tpu.memory_space<hbm>>)
      tpu.yield
    }) : () -> ()
    return
  }
}

</mosaic_0001>

<sc_bundles>
// kernel: gather_offload_async_start
scs
__scs_entry_jumppad:
0x0: {  	(pc) =	sbr.rel $0x88, $3  }
0x1: {  	(tag) =	ssettag $0x0;
	lr =	simm.s32 $0x1  }
0x2: {  	[smem:$0x3F70] =	sst lr;
	_ =	strace $0xD0000000  }
0x3: {  	_ = 	snop  }
0x4: {  	_ = 	snop  }
0x5: {  	_ = 	snop  }
0x6: {  	_ = 	snop  }
0x7: {  	_ = 	snop  }
__scs_overlays_trampoline_lowered:
0x8: {  	[smem:$0x3F7F] =	sst s0  }
0x9: {  	[smem:$0x3F80] =	sst s1  }
0xa: {  	[smem:$0x3F81] =	sst s2  }
0xb: {  	[smem:$0x3F82] =	sst s3  }
0xc: {  	[smem:$0x3F83] =	sst s4  }
0xd: {  	[smem:$0x3F84] =	sst s5  }
0xe: {  	[smem:$0x3F85] =	sst s6  }
0xf: {  	[smem:$0x3F86] =	sst s7  }
0x10: {  	[smem:$0x3F87] =	sst s8  }
0x11: {  	[smem:$0x3F88] =	sst s9;
	s0 =	simm.s32 @!p0 $0x0  }
0x12: {  	s1 =	sld [smem:$0x3F6E];
	s0 =	simm.s32 @p0 $0x1  }
0x13: {  	[smem:$0x3F89] =	sst s0;
	s0 =	simm.s32 @!p1 $0x0  }
0x14: {  	s2 =	sld [smem:$0x3F6D];
	s0 =	simm.s32 @p1 $0x1  }
0x15: {  	[smem:$0x3F8A] =	sst s0;
	s0 =	simm.s32 @!p2 $0x0  }
0x16: {  	s3 =	sld [smem:$0x3FDB];
	s0 =	simm.s32 @p2 $0x1  }
0x17: {  	s4 =	simm.s32 $0x1BF5;
	[smem:$0x3F8C] =	sst s0  }
0x18: {  	s0 =	sld [smem:$0x3F6F];
	_ =	swait.ge [sflag:s4], $0x0  }
0x19: {  	s7 =	sld [smem:$0x3F70]  }
0x1a: {  	s8 =	sadd.s32 $0xFFFFE003, lr  }
0x1b: {  	s9 =	sadd.s32 $0xFFFFFEF7, lr;
	s5 =	simm.s32 $0xFFFFFFFF;
	p2 =	slt.u32 s8, $0xFFFFF086  }
0x1c: {  	p1 =	slt.u32 s9, $0xF7A;
	s5 =	simm.s32 @!p2 $0x0  }
0x1d: {  	s5 =	simm.s32 @p1 $0x1;
	p0 =	seq.s32 s7, s2  }
0x1e: {  	s7 =	smul.u32 @!p0 $0xF7A, s2;
	p2 =	seq.s32 @!p0 s5, $0x0  }
0x1f: {  	s9 =	smul.u32 $0xF7A, s1;
	s8 =	simm.s32 @!p0 $0x1BF5;
	p2 =	por !p2, p0  }
0x20: {  	[sflag:s8] =	ssyncset.s32 @!p0 $0xFFFFF086;
	s6 =	sadd.s32 @!p0 s3, s7;
	s7 =	simm.s32 @!p0 $0x108  }
0x21: {  	s3 =	sadd.s32 s3, s9;
	s6 =	sadd.s32 @!p0 $0x88, s6;
	s7 =	simm.s32 @p2 $0x1082  }
0x22: {  	[simem:s7], [sflag:s8] =	dma.local @!p0 [hbm:s6], $0xF7A  }
0x23: {  	s9 =	sor.u32 $0xD0000000, s2;
	s6 =	simm.s32 $0x108;
	_ =	swait.ge @!p0 [sflag:s8], $0x0  }
0x24: {  	s3 =	sadd.s32 $0x88, s3;
	s6 =	simm.s32 @!p1 $0x1082;
	[sflag:s4] =	ssyncset.s32 $0xFFFFF086  }
0x25: {  	[simem:s6], [sflag:s4] =	dma.local [hbm:s3], $0xF7A  }
0x26: {  	[smem:$0x3F70] =	sst s1;
	(tag) =	ssettag s2;
	_ =	strace s9  }
0x27: {  	s1 =	sld [smem:$0x3F80]  }
0x28: {  	s2 =	sld [smem:$0x3F81]  }
0x29: {  	s4 =	sld [smem:$0x3F83]  }
0x2a: {  	p0 =	seq.s32 s5, $0x0;
	s5 =	sld [smem:$0x3F84]  }
0x2b: {  	s6 =	sld [smem:$0x3F85]  }
0x2c: {  	s7 =	sld [smem:$0x3F86]  }
0x2d: {  	s3 =	simm.s32 $0x108;
	s8 =	sld [smem:$0x3F87]  }
0x2e: {  	s3 =	simm.s32 @!p0 $0x1082;
	s9 =	sld [smem:$0x3F88]  }
0x2f: {  	lr =	sadd.s32 s0, s3;
	s0 =	sld [smem:$0x3F7F]  }
0x30: {  	s3 =	sld [smem:$0x3F82]  }
0x31: {  	[smem:$0x3F8B] =	sst s10  }
0x32: {  	s10 =	sld [smem:$0x3F89];
	_ =	sdelay $0x3  }
0x33: {  	p0 =	seq.s32 s10, $0x1;
	s10 =	sld [smem:$0x3F8B];
	_ =	sdelay $0x3  }
0x34: {  	[smem:$0x3F8B] =	sst s10  }
0x35: {  	s10 =	sld [smem:$0x3F8A];
	_ =	sdelay $0x3  }
0x36: {  	p1 =	seq.s32 s10, $0x1;
	s10 =	sld [smem:$0x3F8B];
	_ =	sdelay $0x3  }
0x37: {  	[smem:$0x3F8B] =	sst s10  }
0x38: {  	s10 =	sld [smem:$0x3F8C]  }
0x39: {  	_ = 	snop;
	(pc) =	sbr.ind lr, $3  }
0x3a: {  	_ = 	snop  }
0x3b: {  	_ = 	snop  }
0x3c: {  	p2 =	seq.s32 s10, $0x1;
	s10 =	sld [smem:$0x3F8B]  }
0x3d: {  	_ =	shalt  }
0x3e: {  	_ =	shalt  }
0x3f: {  	_ =	shalt  }
0x40: {  	_ =	shalt  }
0x41: {  	_ =	shalt  }
0x42: {  	_ =	shalt  }
0x43: {  	_ =	shalt  }
0x44: {  	_ =	shalt  }
0x45: {  	_ =	shalt  }
0x46: {  	_ =	shalt  }
0x47: {  	_ =	shalt  }
0x48: {  	_ =	shalt  }
0x49: {  	_ =	shalt  }
0x4a: {  	_ =	shalt  }
0x4b: {  	_ =	shalt  }
0x4c: {  	_ =	shalt  }
0x4d: {  	_ =	shalt  }
0x4e: {  	_ =	shalt  }
0x4f: {  	_ =	shalt  }
0x50: {  	_ =	shalt  }
0x51: {  	_ =	shalt  }
0x52: {  	_ =	shalt  }
0x53: {  	_ =	shalt  }
0x54: {  	_ =	shalt  }
0x55: {  	_ =	shalt  }
0x56: {  	_ =	shalt  }
0x57: {  	_ =	shalt  }
0x58: {  	_ =	shalt  }
0x59: {  	_ =	shalt  }
0x5a: {  	_ =	shalt  }
0x5b: {  	_ =	shalt  }
0x5c: {  	_ =	shalt  }
0x5d: {  	_ =	shalt  }
0x5e: {  	_ =	shalt  }
0x5f: {  	_ =	shalt  }
0x60: {  	_ =	shalt  }
0x61: {  	_ =	shalt  }
0x62: {  	_ =	shalt  }
0x63: {  	_ =	shalt  }
0x64: {  	_ =	shalt  }
0x65: {  	_ =	shalt  }
0x66: {  	_ =	shalt  }
0x67: {  	_ =	shalt  }
0x68: {  	_ =	shalt  }
0x69: {  	_ =	shalt  }
0x6a: {  	_ =	shalt  }
0x6b: {  	_ =	shalt  }
0x6c: {  	_ =	shalt  }
0x6d: {  	_ =	shalt  }
0x6e: {  	_ =	shalt  }
0x6f: {  	_ =	shalt  }
0x70: {  	_ =	shalt  }
0x71: {  	_ =	shalt  }
0x72: {  	_ =	shalt  }
0x73: {  	_ =	shalt  }
0x74: {  	_ =	shalt  }
0x75: {  	_ =	shalt  }
0x76: {  	_ =	shalt  }
0x77: {  	_ =	shalt  }
0x78: {  	_ =	shalt  }
0x79: {  	_ =	shalt  }
0x7a: {  	_ =	shalt  }
0x7b: {  	_ =	shalt  }
0x7c: {  	_ =	shalt  }
0x7d: {  	_ =	shalt  }
0x7e: {  	_ =	shalt  }
0x7f: {  	_ =	shalt  }
0x80: {  	_ =	shalt  }
0x81: {  	_ =	shalt  }
0x82: {  	_ =	shalt  }
0x83: {  	_ =	shalt  }
0x84: {  	_ =	shalt  }
0x85: {  	_ =	shalt  }
0x86: {  	_ =	shalt  }
0x87: {  	_ =	shalt  }
.Lfunc_end0:
.L_simem_size_0:
called_computation.1_lowered:
.L_overlay_start_0:
0x88: {  	s2 =	sld [smem:$0x3FD9]  }
0x89: {  	s3 =	sld [smem:$0x3FFE];
	_ =	sdelay $0x1  }
0x8a: {  	s1 =	srdreg.scid  }
0x8b: {  	s0 =	sand.u32 $0x1, s1  }
0x8c: {  	s14 =	sshll.u32 s0, $0xA;
	s2 =	sadd.s32 s3, s2  }
0x8d: {  	s2 =	sadd.s32 s2, s14  }
0x8e: {  	[smem:$0x3F97] =	sst s2  }
0x8f: {  	_ = 	snop  }
0x90: {  	s2 =	sld [smem:$0x3FD0];
	_ =	sdelay $0x2  }
0x91: {  	s15 =	simm.s32 $0xA;
	s4 =	simm.s32 $0x10  }
0x92: {  	[smem:s4], [sflag:s15] =	dma.local [hbm:s2], $0x1  }
0x93: {  	_ =	swait.eq [sflag:s15], $0x1  }
0x94: {  	[sflag:s15] =	ssyncset.done $0x0  }
0x95: {  	[sflag:s15] =	ssyncadd.s32 $0xFFFFFFFF  }
0x96: {  	s16 =	sld [smem:$0x13];
	(tm) =	ssettm $0x1  }
0x97: {  	s17 =	sld [smem:$0x3FFB];
	_ =	sdelay $0x3  }
0x98: {  	_ =	strace s17  }
0x99: {  	s3 =	sld [smem:$0x3FFC];
	_ =	sdelay $0x3  }
0x9a: {  	_ =	strace s3  }
0x9b: {  	s3 =	sld [smem:$0x3FFD];
	_ =	sdelay $0x3  }
0x9c: {  	_ =	strace s3  }
0x9d: {  	_ =	strace $0x8FFFFFFF  }
0x9e: {  	s18 =	sld [smem:$0x3FDB];
	_ =	sdelay $0x1  }
0x9f: {  	s19 =	simm.s32 $_scs_section_size  }
0xa0: {  	s5 =	simm.s32 $_size__tile_overlayer_lowered;
	s6 =	simm.s32 $_tile_overlayer_lowered  }
0xa1: {  	s22 =	simm.s32 $0x1BFF;
	s21 =	sshll.u32 s6, $0x1;
	s3 =	sadd.s32 s19, s18  }
0xa2: {  	s7 =	simm.s32 $0x0;
	s20 =	sshll.u32 s5, $0x1;
	s5 =	sadd.s32 s21, s3  }
0xa3: {  	[timem:s7], [sflag:s22] =	dma.local [hbm:s5], s20  }
0xa4: {  	_ =	swait.ge [sflag:s22], s20  }
0xa5: {  	s4 =	ssub.s32 $0x0, s20;
	[sflag:s22] =	ssyncset.done $0x0  }
0xa6: {  	[sflag:s22] =	ssyncadd.s32 s4;
	_ =	sdelay $0x1  }
0xa7: {  	s23 =	simm.s32 $0x1B8B  }
0xa8: {  	_ =	swait.ge [sflag:s23], $0x1  }
0xa9: {  	[sflag:s23] =	ssyncset.done $0x0  }
0xaa: {  	s25 =	simm.s32 $0x1B8E;
	s24 =	sld [smem:$0x3FFE];
	[sflag:s23] =	ssyncadd.s32 $0xFFFFFFFF  }
0xab: {  	s26 =	simm.s32 $execute0_lowered;
	[smem:$0x3FD2] =	sst s25  }
0xac: {  	s5 =	sshll.u32 s26, $0x1;
	_ =	strace $0x80000046;
	[dreg:$0x1] =	wrdreg $0xFFFFFFFF  }
0xad: {  	s28 =	simm.s32 $_size_execute0_lowered;
	s3 =	sadd.s32 s3, s5;
	[dreg:$0x0] =	wrdreg $0x0  }
0xae: {  	s5 =	sshll.u32 s28, $0x1;
	[dreg:$0x2] =	wrdreg s3  }
0xaf: {  	[dreg:$0x3] =	wrdreg s5  }
0xb0: {  	[dreg:$0x4] =	wrdreg $0xC0  }
0xb1: {  	_ =	task [dreg:s7], $0x5FFFF  }
0xb2: {  	[dreg:$0x1] =	wrdreg $0xFFFFFFFF  }
0xb3: {  	[dreg:$0x0] =	wrdreg $0x60  }
0xb4: {  	[dreg:$0x2] =	wrdreg s24  }
0xb5: {  	[dreg:$0x3] =	wrdreg s16  }
0xb6: {  	[dreg:$0x4] =	wrdreg $0x9  }
0xb7: {  	_ =	task.clear_ibuf [dreg:s7], $0x5FFFF;
	_ =	strace $0x90000046  }
0xb8: {  	s29 =	simm.s32 $0x9;
	_ =	strace $0x80000048  }
0xb9: {  	_ =	swait.ge [sflag:s29], $0x1  }
0xba: {  	[sflag:s29] =	ssyncadd.s32 $0xFFFFFFFF  }
0xbb: {  	_ =	strace $0x90000048  }
0xbc: {  	_ =	sfence  }
0xbd: {  	s30 =	sld [smem:$0x0];
	_ =	sdelay $0x2  }
0xbe: {  	s31 =	sshll.u32 s1, $0xD;
	s1 =	sshrl.u32 s1, $0x2  }
0xbf: {  	s3 =	sand.u32 $0x4000, s31;
	s1 =	sadd.s32 s1, s30  }
0xc0: {  	s0 =	sor.u32 s3, s0;
	s1 =	sshll.u32 s1, $0x11  }
0xc1: {  	s0 =	sor.u32 s1, s0  }
0xc2: {  	s0 =	sadd.s32 $0x8F2B, s0  }
0xc3: {  	[sflag:s0] =	ssyncadd.remote.s32 $0x1  }
0xc4: {  	_ =	sfence.sel $0xFFFF  }
0xc5: {  	[dreg:$0x0] =	wrdreg $0xFFFFFFFF;
	(pc) =	sbr.abs _section_cstart, $3  }
0xc6: {  	[dreg:$0x1] =	wrdreg $0xFFFFFFFF  }
0xc7: {  	_ =	task.clear_ibuf [dreg:s7], $0x2FFFF;
	_ =	strace $0x9FFFFFFF  }
0xc8: {  	(tm) =	ssettm $0x7FFFFFFF  }
0xc9: {  	_ =	shalt  }
tec
execute0_lowered:
.L_overlay_start_1:
0x0: {  	(tag) =	ssettag $0x1  }
0x1: {  	s7 =	rddreg [dreg:$0x0]  }
0x2: {  	s2 =	rddreg [dreg:$0x1]  }
0x3: {  	s0 =	rddreg [dreg:$0x2]  }
0x4: {  	s1 =	srdreg.scid;
	_ =	strace $0x80000047;
	s4 =	simm.s32 $0x1  }
0x5: {  	s9 =	simm.s32 $0x3;
	s12 =	simm.s32 $0x0;
	s5 =	sshll.u32 s1, $0x4  }
.Ltmp0:
0x6: {  	s1 =	stileid.u32;
	s5 =	sand.u32 $0x10, s5;
	(pc) =	sbr.rel .LBB2_1-.Ltmp0, $4  }
0x7: {  	s10 =	simm.s32 $0x0;
	s3 =	sadd.s32 $0x200, s7;
	s6 =	sor.u32 s1, s5  }
0x8: {  	[sflag:s4] =	ssyncpa.u1 $0x0;
	s5 =	simm.s32 $0x2;
	s6 =	sshll.u32 s6, $0x7  }
0x9: {  	s7 =	sadd.s32 $0x100200, s7;
	[sflag:s5] =	ssyncpa.u1 $0x0;
	s8 =	sadd.s32 $0x80, s6  }
0xa: {  	vm0 =	vmmov $0xff;
	vm1 =	vcmask $0x3F20;
	[sflag:s9] =	ssyncpa.u1 $0x0;
	s9 =	simm.s32 $0x80;
	s11 =	smov.u32 s6  }
.LBB2_9:
0xb: {  	p0 =	seq.s32 s10, $0x2  }
.Ltmp1:
0xc: {  	_ = 	snop;
	(pc) =	sbr.rel @p0 .LBB2_11-.Ltmp1, $1  }
0xd: {  	_ =	sdelay $0x3  }
.LBB2_10:
0xe: {  	s12 =	sadd.s32 $0x80, s11  }
0xf: {  	s13 =	smov.u32 s6;
	p0 =	slt.s32 s12, s8  }
0x10: {  	s13 =	smov.u32 @p0 s12  }
0x11: {  	s10 =	sadd.s32 $0x1, s10;
	s12 =	smov.u32 s11;
	s11 =	smov.u32 s13  }
.LBB2_1:
0x12: {  	p0 =	sne.s32 s10, $0x0  }
.Ltmp2:
0x13: {  	_ = 	snop;
	(pc) =	sbr.rel @!p0 .LBB2_2-.Ltmp2, $1  }
0x14: {  	_ =	sdelay $0x3  }
0x15: {  	s13 =	sand.u32 $0x1, s10  }
0x16: {  	p0 =	seq.s32 s13, $0x0  }
.Ltmp3:
0x17: {  	_ = 	snop;
	(pc) =	sbr.rel @p0 .LBB2_9-.Ltmp3, $1  }
0x18: {  	_ =	sdelay $0x3  }
0x19: {  	_ =	swait.ge [sflag:s5], $0x80  }
0x1a: {  	[sflag:s5] =	ssyncset.done $0x0  }
0x1b: {  	s13 =	simm.s32 $0x0;
	[sflag:s5] =	ssyncadd.s32 $0xFFFFFF80  }
0x1c: {  	v0 =	vld.msk [tilespmem:s13+$0x80 ss:$0x1], $0xffff;
	_ =	sdelay $0x4  }
0x1d: {  	v1 =	vshll.u32 v0, $0x5  }
0x1e: {  	vm2 =	veq.s32 v0, $0x80000000;
	v0 =	vshll.u32 v0, $0x14;
	v1 =	vand.u32 $0xFFF80, v1  }
0x1f: {  	v0 =	vand.u32 $0x300000, v0;
	v1 =	vsel vm2, $0xFFFFFF80, v1  }
0x20: {  	v0 =	vsel vm2, $0xFFF00000, v0;
	v2 =	vand.u32 $0xFFFFFC00, v1  }
0x21: {  	v1 =	vand.u32 $0x380, v1;
	v0 =	vadd.s32 v0, v2  }
0x22: {  	v0 =	vor.u32 v1, v0  }
0x23: {  	v0 =	vshrl.u32 v0, $0x3;
	_ =	sdelay $0x3  }
0x24: {  	s13 =	simm.s32 $0x4100  }
0x25: {  	[tilespmem:s13], [sflag:$0x1] =	stream.indirect_vreg.gather [hbm:s3], $0x80, v0, vm0, $0x38;
	[tilespmem:$0x8100] =	vst v63  }
0x26: {  	s14 =	simm.s32 $0x4500;
	s31 =	simm.s32 $0x10  }
0x27: {  	[tilespmem:s14], [sflag:$0x1] =	stream.indirect_vreg.gather [hbm:s3], $0x80, v0, vm1, $0x38;
	[tilespmem:$0x8100] =	vst v63  }
0x28: {  	s14 =	simm.s32 $0x80;
	v0 =	vld.msk [tilespmem:s31+$0x80 ss:$0x1], $0xffff  }
.LBB2_5:
0x29: {  	p0 =	sne.s32 s14, $0x1C0;
	_ =	sdelay $0x4  }
0x2a: {  	v1 =	vshll.u32 v0, $0x5  }
0x2b: {  	vm2 =	veq.s32 v0, $0x80000000;
	v0 =	vshll.u32 v0, $0x14;
	v1 =	vand.u32 $0xFFF80, v1  }
0x2c: {  	v0 =	vand.u32 $0x300000, v0;
	v1 =	vsel vm2, $0xFFFFFF80, v1  }
0x2d: {  	v0 =	vsel vm2, $0xFFF00000, v0;
	v2 =	vand.u32 $0xFFFFFC00, v1  }
0x2e: {  	v1 =	vand.u32 $0x380, v1;
	v0 =	vadd.s32 v0, v2  }
0x2f: {  	v0 =	vor.u32 v1, v0  }
0x30: {  	v0 =	vshrl.u32 v0, $0x3;
	_ =	sdelay $0x3  }
.Ltmp4:
0x31: {  	s13 =	sadd.s32 $0x800, s13;
	(pc) =	sbr.rel @p0 .LBB2_5-.Ltmp4, $4  }
0x32: {  	[tilespmem:s13], [sflag:$0x1] =	stream.indirect_vreg.gather [hbm:s3], $0x80, v0, vm0, $0x38;
	[tilespmem:$0x8100] =	vst v63  }
0x33: {  	s15 =	sshra.s32 s14, $0x2;
	s16 =	sadd.s32 $0x400, s13  }
0x34: {  	[tilespmem:s16], [sflag:$0x1] =	stream.indirect_vreg.gather [hbm:s3], $0x80, v0, vm1, $0x38;
	[tilespmem:$0x8100] =	vst v63  }
0x35: {  	s14 =	sadd.s32 $0x40, s14;
	v0 =	vld.msk [tilespmem:s15+$0x80 ss:$0x1], $0xffff  }
0x36: {  	_ =	sdelay $0x3  }
0x37: {  	v1 =	vshll.u32 v0, $0x5  }
0x38: {  	vm2 =	veq.s32 v0, $0x80000000;
	v63 =	vshll.u32 v0, $0x14;
	v1 =	vand.u32 $0xFFF80, v1  }
0x39: {  	v0 =	vand.u32 $0x300000, v63;
	v1 =	vsel vm2, $0xFFFFFF80, v1  }
0x3a: {  	v0 =	vsel vm2, $0xFFF00000, v0;
	v2 =	vand.u32 $0xFFFFFC00, v1  }
0x3b: {  	v1 =	vand.u32 $0x380, v1;
	v0 =	vadd.s32 v0, v2  }
0x3c: {  	v0 =	vor.u32 v1, v0  }
0x3d: {  	v0 =	vshrl.u32 v0, $0x3;
	_ =	sdelay $0x3  }
0x3e: {  	s13 =	sadd.s32 $0x800, s13  }
0x3f: {  	[tilespmem:s13], [sflag:$0x1] =	stream.indirect_vreg.gather [hbm:s3], $0x80, v0, vm0, $0x38;
	[tilespmem:$0x8100] =	vst v63  }
0x40: {  	s13 =	sadd.s32 $0x400, s13  }
0x41: {  	[tilespmem:s13], [sflag:$0x1] =	stream.indirect_vreg.gather [hbm:s3], $0x80, v0, vm1, $0x38;
	[tilespmem:$0x8100] =	vst v63  }
0x42: {  	s12 =	sshll.u32 s12, $0x4;
	s14 =	simm.s32 $0x80;
	_ =	swait.ge [sflag:s4], $0x4000  }
0x43: {  	s15 =	simm.s32 $0x4500;
	s12 =	sadd.s32 s12, s7;
	[sflag:s4] =	ssyncset.done $0x0  }
0x44: {  	s16 =	sadd.s32 $0x0, s12;
	s13 =	simm.s32 $0x4100;
	[sflag:s4] =	ssyncadd.s32 $0xFFFFC000  }
.LBB2_7:
0x45: {  	[hbm:s16] =	stream.linear.scatter [tilespmem:s13], [sflag:$0x3], $0x400, $0x38;
	[tilespmem:$0x8100] =	vst v63  }
0x46: {  	s16 =	smov.u32 s14;
	s13 =	smov.u32 s15;
	p0 =	sne.s32 s14, $0x780  }
.Ltmp5:
0x47: {  	s14 =	sadd.s32 $0x80, s14;
	(pc) =	sbr.rel @p0 .LBB2_7-.Ltmp5, $2  }
0x48: {  	_ =	sdelay $0x2  }
0x49: {  	s15 =	sadd.s32 $0x400, s15;
	s16 =	sadd.s32 s16, s12  }
.Ltmp6:
0x4a: {  	(pc) =	sbr.rel .LBB2_9-.Ltmp6, $2  }
0x4b: {  	_ =	sdelay $0x2  }
0x4c: {  	[hbm:s16] =	stream.linear.scatter [tilespmem:s13], [sflag:$0x3], $0x400, $0x38;
	[tilespmem:$0x8100] =	vst v63  }
.LBB2_2:
.Ltmp7:
0x4d: {  	(pc) =	sbr.rel .LBB2_10-.Ltmp7, $4  }
0x4e: {  	_ = 	snop  }
0x4f: {  	s12 =	sshrl.u32 s11, $0x3  }
0x50: {  	s13 =	sand.u32 $0x7, s11;
	s12 =	sadd.s32 s2, s12  }
0x51: {  	[tilespmem:s9], [sflag:$0x2] =	stream.linear.gather [hbm4b:s12+s13], $0x80, $0x38;
	[tilespmem:$0x8100] =	vst v63  }
.LBB2_11:
0x52: {  	s2 =	simm.s32 $0x3  }
0x53: {  	_ =	swait.ge [sflag:s2], $0x4000  }
0x54: {  	[sflag:s2] =	ssyncset.done $0x0  }
0x55: {  	[sflag:s2] =	ssyncadd.s32 $0xFFFFC000  }
0x56: {  	_ =	sfence.sel $0x180000  }
0x57: {  	s3 =	simm.s32 $0x2;
	[bflag:$0x0] =	sbarrier.arrive $0xFFFF  }
0x58: {  	[sflag:s3] =	ssyncpa.u1 $0x1  }
0x59: {  	s31 =	simm.s32 $0x1;
	[sflag:s2] =	ssyncpa.u1 $0x1  }
0x5a: {  	[sflag:s31] =	ssyncpa.u1 $0x1  }
0x5b: {  	p0 =	sne.s32 s1, $0x0;
	_ =	strace $0x90000047  }
0x5c: {  	s0 =	sadd.s32 @!p0 $0x100000, s0;
	[bflag:$0x2] =	sbarrier.arrive $0xFFFF  }
0x5d: {  	[sflag:s0] =	ssyncadd.tile.s32 @!p0 $0x1;
	_ =	shalt  }
.Lfunc_end2:
_tile_overlayer_lowered:
.L_overlay_start_2:
0x5e: {  	(tag) =	ssettag $0x2  }
0x5f: {  	s0 =	rddreg [dreg:$0x0];
	s2 =	stileid.u32  }
0x60: {  	s1 =	rddreg [dreg:$0x1];
	p0 =	sne.s32 s2, $0x0  }
0x61: {  	s3 =	rddreg [dreg:$0x2];
	[bflag:$0x3] =	sbarrier.arrive $0xFFFF;
	s2 =	simm.s32 @!p0 $0x1C01  }
0x62: {  	[timem:s3], [sflag:s2] =	dma.local @!p0 [hbm:s0], s1  }
0x63: {  	s0 =	simm.s32 @!p0 $0x1  }
0x64: {  	_ =	swait.ge @!p0 [sflag:s0], s1  }
0x65: {  	s1 =	ssub.s32 @!p0 $0x0, s1;
	[sflag:s0] =	ssyncset.done @!p0 $0x0  }
0x66: {  	[sflag:s0] =	ssyncadd.s32 @!p0 s1  }
0x67: {  	[bflag:$0x3] =	sbarrier.arrive $0xFFFF  }
0x68: {  	_ =	shalt  }

// kernel: kernel.12.cloned.1.call-start
scs
__scs_entry_jumppad:
0x0: {  	(pc) =	sbr.rel $0x88, $3  }
0x1: {  	(tag) =	ssettag $0x0;
	lr =	simm.s32 $0x1  }
0x2: {  	[smem:$0x3F70] =	sst lr;
	_ =	strace $0xD0000000  }
0x3: {  	_ = 	snop  }
0x4: {  	_ = 	snop  }
0x5: {  	_ = 	snop  }
0x6: {  	_ = 	snop  }
0x7: {  	_ = 	snop  }
__scs_overlays_trampoline_lowered:
0x8: {  	[smem:$0x3F7F] =	sst s0  }
0x9: {  	[smem:$0x3F80] =	sst s1  }
0xa: {  	[smem:$0x3F81] =	sst s2  }
0xb: {  	[smem:$0x3F82] =	sst s3  }
0xc: {  	[smem:$0x3F83] =	sst s4  }
0xd: {  	[smem:$0x3F84] =	sst s5  }
0xe: {  	[smem:$0x3F85] =	sst s6  }
0xf: {  	[smem:$0x3F86] =	sst s7  }
0x10: {  	[smem:$0x3F87] =	sst s8  }
0x11: {  	[smem:$0x3F88] =	sst s9;
	s0 =	simm.s32 @!p0 $0x0  }
0x12: {  	s1 =	sld [smem:$0x3F6E];
	s0 =	simm.s32 @p0 $0x1  }
0x13: {  	[smem:$0x3F89] =	sst s0;
	s0 =	simm.s32 @!p1 $0x0  }
0x14: {  	s2 =	sld [smem:$0x3F6D];
	s0 =	simm.s32 @p1 $0x1  }
0x15: {  	[smem:$0x3F8A] =	sst s0;
	s0 =	simm.s32 @!p2 $0x0  }
0x16: {  	s3 =	sld [smem:$0x3FDB];
	s0 =	simm.s32 @p2 $0x1  }
0x17: {  	s4 =	simm.s32 $0x1BF5;
	[smem:$0x3F8C] =	sst s0  }
0x18: {  	s0 =	sld [smem:$0x3F6F];
	_ =	swait.ge [sflag:s4], $0x0  }
0x19: {  	s7 =	sld [smem:$0x3F70]  }
0x1a: {  	s8 =	sadd.s32 $0xFFFFE003, lr  }
0x1b: {  	s9 =	sadd.s32 $0xFFFFFEF7, lr;
	s5 =	simm.s32 $0xFFFFFFFF;
	p2 =	slt.u32 s8, $0xFFFFF086  }
0x1c: {  	p1 =	slt.u32 s9, $0xF7A;
	s5 =	simm.s32 @!p2 $0x0  }
0x1d: {  	s5 =	simm.s32 @p1 $0x1;
	p0 =	seq.s32 s7, s2  }
0x1e: {  	s7 =	smul.u32 @!p0 $0xF7A, s2;
	p2 =	seq.s32 @!p0 s5, $0x0  }
0x1f: {  	s9 =	smul.u32 $0xF7A, s1;
	s8 =	simm.s32 @!p0 $0x1BF5;
	p2 =	por !p2, p0  }
0x20: {  	[sflag:s8] =	ssyncset.s32 @!p0 $0xFFFFF086;
	s6 =	sadd.s32 @!p0 s3, s7;
	s7 =	simm.s32 @!p0 $0x108  }
0x21: {  	s3 =	sadd.s32 s3, s9;
	s6 =	sadd.s32 @!p0 $0x88, s6;
	s7 =	simm.s32 @p2 $0x1082  }
0x22: {  	[simem:s7], [sflag:s8] =	dma.local @!p0 [hbm:s6], $0xF7A  }
0x23: {  	s9 =	sor.u32 $0xD0000000, s2;
	s6 =	simm.s32 $0x108;
	_ =	swait.ge @!p0 [sflag:s8], $0x0  }
0x24: {  	s3 =	sadd.s32 $0x88, s3;
	s6 =	simm.s32 @!p1 $0x1082;
	[sflag:s4] =	ssyncset.s32 $0xFFFFF086  }
0x25: {  	[simem:s6], [sflag:s4] =	dma.local [hbm:s3], $0xF7A  }
0x26: {  	[smem:$0x3F70] =	sst s1;
	(tag) =	ssettag s2;
	_ =	strace s9  }
0x27: {  	s1 =	sld [smem:$0x3F80]  }
0x28: {  	s2 =	sld [smem:$0x3F81]  }
0x29: {  	s4 =	sld [smem:$0x3F83]  }
0x2a: {  	p0 =	seq.s32 s5, $0x0;
	s5 =	sld [smem:$0x3F84]  }
0x2b: {  	s6 =	sld [smem:$0x3F85]  }
0x2c: {  	s7 =	sld [smem:$0x3F86]  }
0x2d: {  	s3 =	simm.s32 $0x108;
	s8 =	sld [smem:$0x3F87]  }
0x2e: {  	s3 =	simm.s32 @!p0 $0x1082;
	s9 =	sld [smem:$0x3F88]  }
0x2f: {  	lr =	sadd.s32 s0, s3;
	s0 =	sld [smem:$0x3F7F]  }
0x30: {  	s3 =	sld [smem:$0x3F82]  }
0x31: {  	[smem:$0x3F8B] =	sst s10  }
0x32: {  	s10 =	sld [smem:$0x3F89];
	_ =	sdelay $0x3  }
0x33: {  	p0 =	seq.s32 s10, $0x1;
	s10 =	sld [smem:$0x3F8B];
	_ =	sdelay $0x3  }
0x34: {  	[smem:$0x3F8B] =	sst s10  }
0x35: {  	s10 =	sld [smem:$0x3F8A];
	_ =	sdelay $0x3  }
0x36: {  	p1 =	seq.s32 s10, $0x1;
	s10 =	sld [smem:$0x3F8B];
	_ =	sdelay $0x3  }
0x37: {  	[smem:$0x3F8B] =	sst s10  }
0x38: {  	s10 =	sld [smem:$0x3F8C]  }
0x39: {  	_ = 	snop;
	(pc) =	sbr.ind lr, $3  }
0x3a: {  	_ = 	snop  }
0x3b: {  	_ = 	snop  }
0x3c: {  	p2 =	seq.s32 s10, $0x1;
	s10 =	sld [smem:$0x3F8B]  }
0x3d: {  	_ =	shalt  }
0x3e: {  	_ =	shalt  }
0x3f: {  	_ =	shalt  }
0x40: {  	_ =	shalt  }
0x41: {  	_ =	shalt  }
0x42: {  	_ =	shalt  }
0x43: {  	_ =	shalt  }
0x44: {  	_ =	shalt  }
0x45: {  	_ =	shalt  }
0x46: {  	_ =	shalt  }
0x47: {  	_ =	shalt  }
0x48: {  	_ =	shalt  }
0x49: {  	_ =	shalt  }
0x4a: {  	_ =	shalt  }
0x4b: {  	_ =	shalt  }
0x4c: {  	_ =	shalt  }
0x4d: {  	_ =	shalt  }
0x4e: {  	_ =	shalt  }
0x4f: {  	_ =	shalt  }
0x50: {  	_ =	shalt  }
0x51: {  	_ =	shalt  }
0x52: {  	_ =	shalt  }
0x53: {  	_ =	shalt  }
0x54: {  	_ =	shalt  }
0x55: {  	_ =	shalt  }
0x56: {  	_ =	shalt  }
0x57: {  	_ =	shalt  }
0x58: {  	_ =	shalt  }
0x59: {  	_ =	shalt  }
0x5a: {  	_ =	shalt  }
0x5b: {  	_ =	shalt  }
0x5c: {  	_ =	shalt  }
0x5d: {  	_ =	shalt  }
0x5e: {  	_ =	shalt  }
0x5f: {  	_ =	shalt  }
0x60: {  	_ =	shalt  }
0x61: {  	_ =	shalt  }
0x62: {  	_ =	shalt  }
0x63: {  	_ =	shalt  }
0x64: {  	_ =	shalt  }
0x65: {  	_ =	shalt  }
0x66: {  	_ =	shalt  }
0x67: {  	_ =	shalt  }
0x68: {  	_ =	shalt  }
0x69: {  	_ =	shalt  }
0x6a: {  	_ =	shalt  }
0x6b: {  	_ =	shalt  }
0x6c: {  	_ =	shalt  }
0x6d: {  	_ =	shalt  }
0x6e: {  	_ =	shalt  }
0x6f: {  	_ =	shalt  }
0x70: {  	_ =	shalt  }
0x71: {  	_ =	shalt  }
0x72: {  	_ =	shalt  }
0x73: {  	_ =	shalt  }
0x74: {  	_ =	shalt  }
0x75: {  	_ =	shalt  }
0x76: {  	_ =	shalt  }
0x77: {  	_ =	shalt  }
0x78: {  	_ =	shalt  }
0x79: {  	_ =	shalt  }
0x7a: {  	_ =	shalt  }
0x7b: {  	_ =	shalt  }
0x7c: {  	_ =	shalt  }
0x7d: {  	_ =	shalt  }
0x7e: {  	_ =	shalt  }
0x7f: {  	_ =	shalt  }
0x80: {  	_ =	shalt  }
0x81: {  	_ =	shalt  }
0x82: {  	_ =	shalt  }
0x83: {  	_ =	shalt  }
0x84: {  	_ =	shalt  }
0x85: {  	_ =	shalt  }
0x86: {  	_ =	shalt  }
0x87: {  	_ =	shalt  }
.Lfunc_end0:
.L_simem_size_0:
called_computation.4_lowered:
.L_overlay_start_0:
0x88: {  	s2 =	sld [smem:$0x3FD9]  }
0x89: {  	s3 =	sld [smem:$0x3FFE];
	_ =	sdelay $0x1  }
0x8a: {  	s1 =	srdreg.scid  }
0x8b: {  	s0 =	sand.u32 $0x1, s1  }
0x8c: {  	s14 =	sshll.u32 s0, $0xA;
	s2 =	sadd.s32 s3, s2  }
0x8d: {  	s2 =	sadd.s32 s2, s14  }
0x8e: {  	[smem:$0x3F97] =	sst s2  }
0x8f: {  	_ = 	snop  }
0x90: {  	s2 =	sld [smem:$0x3FD0];
	_ =	sdelay $0x2  }
0x91: {  	s15 =	simm.s32 $0xA;
	s4 =	simm.s32 $0x10  }
0x92: {  	[smem:s4], [sflag:s15] =	dma.local [hbm:s2], $0x1  }
0x93: {  	_ =	swait.eq [sflag:s15], $0x1  }
0x94: {  	[sflag:s15] =	ssyncset.done $0x0  }
0x95: {  	s16 =	sld [smem:$0x11];
	[sflag:s15] =	ssyncadd.s32 $0xFFFFFFFF  }
0x96: {  	s17 =	sld [smem:$0x12];
	(tm) =	ssettm $0x1  }
0x97: {  	s18 =	sld [smem:$0x3FFB];
	_ =	sdelay $0x3  }
0x98: {  	_ =	strace s18  }
0x99: {  	s4 =	sld [smem:$0x3FFC];
	_ =	sdelay $0x3  }
0x9a: {  	_ =	strace s4  }
0x9b: {  	s4 =	sld [smem:$0x3FFD];
	_ =	sdelay $0x3  }
0x9c: {  	_ =	strace s4  }
0x9d: {  	_ =	strace $0x8FFFFFFF  }
0x9e: {  	s19 =	sld [smem:$0x3FDB];
	_ =	sdelay $0x1  }
0x9f: {  	s5 =	simm.s32 $_scs_section_size  }
0xa0: {  	s6 =	simm.s32 $_size__tile_overlayer_lowered;
	s7 =	simm.s32 $_tile_overlayer_lowered  }
0xa1: {  	s22 =	simm.s32 $0x1BFF;
	s21 =	sshll.u32 s7, $0x1;
	s4 =	sadd.s32 s5, s19  }
0xa2: {  	s8 =	simm.s32 $0x0;
	s20 =	sshll.u32 s6, $0x1;
	s6 =	sadd.s32 s21, s4  }
0xa3: {  	[timem:s8], [sflag:s22] =	dma.local [hbm:s6], s20  }
0xa4: {  	_ =	swait.ge [sflag:s22], s20  }
0xa5: {  	s5 =	ssub.s32 $0x0, s20;
	[sflag:s22] =	ssyncset.done $0x0  }
0xa6: {  	[sflag:s22] =	ssyncadd.s32 s5;
	_ =	sdelay $0x1  }
0xa7: {  	s23 =	simm.s32 $0x1B8B  }
0xa8: {  	_ =	swait.ge [sflag:s23], $0x1  }
0xa9: {  	[sflag:s23] =	ssyncset.done $0x0  }
0xaa: {  	s25 =	simm.s32 $0x1B8E;
	s24 =	sld [smem:$0x3FFE];
	[sflag:s23] =	ssyncadd.s32 $0xFFFFFFFF  }
0xab: {  	s26 =	simm.s32 $execute0_lowered;
	[smem:$0x3FD2] =	sst s25  }
0xac: {  	s6 =	sshll.u32 s26, $0x1;
	_ =	strace $0x80000052;
	[dreg:$0x1] =	wrdreg $0xFFFFFFFF  }
0xad: {  	s28 =	simm.s32 $_size_execute0_lowered;
	s4 =	sadd.s32 s4, s6;
	[dreg:$0x0] =	wrdreg $0x0  }
0xae: {  	s6 =	sshll.u32 s28, $0x1;
	[dreg:$0x2] =	wrdreg s4  }
0xaf: {  	[dreg:$0x3] =	wrdreg s6  }
0xb0: {  	[dreg:$0x4] =	wrdreg $0xC0  }
0xb1: {  	_ =	task [dreg:s8], $0x5FFFF  }
0xb2: {  	[dreg:$0x1] =	wrdreg $0xFFFFFFFF  }
0xb3: {  	[dreg:$0x0] =	wrdreg $0x60  }
0xb4: {  	[dreg:$0x2] =	wrdreg s16  }
0xb5: {  	[dreg:$0x3] =	wrdreg s17  }
0xb6: {  	[dreg:$0x4] =	wrdreg s24  }
0xb7: {  	[dreg:$0x5] =	wrdreg $0x9  }
0xb8: {  	_ =	task.clear_ibuf [dreg:s8], $0x6FFFF;
	_ =	strace $0x90000052  }
0xb9: {  	s29 =	simm.s32 $0x9;
	_ =	strace $0x80000054  }
0xba: {  	_ =	swait.ge [sflag:s29], $0x1  }
0xbb: {  	[sflag:s29] =	ssyncadd.s32 $0xFFFFFFFF  }
0xbc: {  	_ =	strace $0x90000054  }
0xbd: {  	_ =	sfence  }
0xbe: {  	s30 =	sld [smem:$0x0];
	_ =	sdelay $0x2  }
0xbf: {  	s31 =	sshll.u32 s1, $0xD;
	s1 =	sshrl.u32 s1, $0x2  }
0xc0: {  	s3 =	sand.u32 $0x4000, s31;
	s1 =	sadd.s32 s1, s30  }
0xc1: {  	s0 =	sor.u32 s3, s0;
	s1 =	sshll.u32 s1, $0x11  }
0xc2: {  	s0 =	sor.u32 s1, s0  }
0xc3: {  	s0 =	sadd.s32 $0x8F2B, s0  }
0xc4: {  	[sflag:s0] =	ssyncadd.remote.s32 $0x1  }
0xc5: {  	_ =	sfence.sel $0xFFFF  }
0xc6: {  	[dreg:$0x0] =	wrdreg $0xFFFFFFFF;
	(pc) =	sbr.abs _section_cstart, $3  }
0xc7: {  	[dreg:$0x1] =	wrdreg $0xFFFFFFFF  }
0xc8: {  	_ =	task.clear_ibuf [dreg:s8], $0x2FFFF;
	_ =	strace $0x9FFFFFFF  }
0xc9: {  	(tm) =	ssettm $0x7FFFFFFF  }
tec
execute0_lowered:
.L_overlay_start_1:
0x0: {  	(tag) =	ssettag $0x1  }
0x1: {  	s1 =	rddreg [dreg:$0x0];
	s2 =	srdreg.scid  }
0x2: {  	s4 =	rddreg [dreg:$0x1];
	s0 =	stileid.u32;
	s9 =	sand.u32 $0x1, s2  }
0x3: {  	s10 =	rddreg [dreg:$0x2];
	s5 =	sshll.u32 s0, $0x9;
	s6 =	sshll.u32 s9, $0x8  }
0x4: {  	s3 =	simm.s32 $0x0;
	s2 =	rddreg [dreg:$0x3];
	s11 =	sor.u32 s6, s5  }
0x5: {  	[smem:$0x7FF] =	sst s3;
	s5 =	sshrl.u32 s11, $0x3  }
0x6: {  	_ =	strace $0x80000053;
	s5 =	sadd.s32 s4, s5;
	s4 =	simm.s32 $0x2  }
0x7: {  	[tilespmem:s3], [sflag:$0x2] =	stream.linear.gather [hbm4b:s5+s3], $0x100, $0x38;
	[tilespmem:$0x8100] =	vst v63  }
0x8: {  	_ =	swait.ge [sflag:s4], $0x100  }
0x9: {  	s7 =	simm.s32 $0x100;
	s8 =	simm.s32 $0x1;
	[sflag:s4] =	ssyncset.done $0x0  }
0xa: {  	s12 =	ssub.s32 $0x2, s9;
	s6 =	simm.s32 $0x80;
	[sflag:s4] =	ssyncadd.s32 $0xFFFFFF00  }
0xb: {  	[tilespmem:s7], [sflag:$0x1] =	stream.indirect.gather [hbm4b:s1+s6], $0x80, s3, s6, $0xb8;
	[tilespmem:$0x8100] =	vst v63  }
0xc: {  	s9 =	simm.s32 $0x4100;
	s13 =	sshrl.u32 s12, $0x1;
	_ =	swait.ge [sflag:s8], $0x4000  }
0xd: {  	s11 =	sshll.u32 s11, $0x4;
	s31 =	ssub.s32 s12, s13;
	[sflag:s8] =	ssyncset.done $0x0  }
0xe: {  	s10 =	sadd.s32 s11, s10;
	s11 =	smax.u32 s31, $0x1;
	[sflag:s8] =	ssyncadd.s32 $0xFFFFC000  }
0xf: {  	[tilespmem:s9], [sflag:$0x1] =	stream.indirect.gather [hbm4b:s1+s6], $0x80, s6, s6, $0xb8;
	[tilespmem:$0x8100] =	vst v63  }
0x10: {  	p0 =	sne.s32 s11, $0x1;
	_ =	swait.ge [sflag:s8], $0x4000  }
.Ltmp0:
0x11: {  	[sflag:s8] =	ssyncset.done $0x0;
	(pc) =	sbr.rel @!p0 .LBB2_2-.Ltmp0, $4  }
0x12: {  	s10 =	sadd.s32 $0x200, s10;
	[sflag:s8] =	ssyncadd.s32 $0xFFFFC000  }
0x13: {  	[hbm4b:s10+s3] =	stream.linear.scatter [tilespmem:s7], [sflag:$0x2], $0x8000, $0x38;
	[tilespmem:$0x8100] =	vst v63  }
0x14: {  	_ =	swait.ge [sflag:s4], $0x8000  }
0x15: {  	s11 =	sadd.s32 $0xFFFFFFFF, s11;
	[sflag:s4] =	ssyncset.done $0x0  }
.LBB2_1:
0x16: {  	p0 =	sne.s32 s11, $0x1;
	s11 =	sadd.s32 $0xFFFFFFFF, s11;
	[sflag:s4] =	ssyncadd.s32 $0xFFFF8000  }
0x17: {  	[tilespmem:s3], [sflag:$0x2] =	stream.linear.gather [hbm4b:s5+s3], $0x100, $0x38;
	[tilespmem:$0x8100] =	vst v63  }
0x18: {  	_ =	swait.ge [sflag:s4], $0x100  }
0x19: {  	[sflag:s4] =	ssyncset.done $0x0  }
0x1a: {  	[sflag:s4] =	ssyncadd.s32 $0xFFFFFF00  }
0x1b: {  	[tilespmem:s7], [sflag:$0x1] =	stream.indirect.gather [hbm4b:s1+s6], $0x80, s3, s6, $0xb8;
	[tilespmem:$0x8100] =	vst v63  }
0x1c: {  	_ =	swait.ge [sflag:s8], $0x4000  }
0x1d: {  	[sflag:s8] =	ssyncset.done $0x0  }
0x1e: {  	[sflag:s8] =	ssyncadd.s32 $0xFFFFC000  }
0x1f: {  	[tilespmem:s9], [sflag:$0x1] =	stream.indirect.gather [hbm4b:s1+s6], $0x80, s6, s6, $0xb8;
	[tilespmem:$0x8100] =	vst v63  }
0x20: {  	_ =	swait.ge [sflag:s8], $0x4000  }
.Ltmp1:
0x21: {  	[sflag:s8] =	ssyncset.done $0x0;
	(pc) =	sbr.rel @p0 .LBB2_1-.Ltmp1, $4  }
0x22: {  	[sflag:s8] =	ssyncadd.s32 $0xFFFFC000  }
0x23: {  	[hbm4b:s10+s3] =	stream.linear.scatter [tilespmem:s7], [sflag:$0x2], $0x8000, $0x38;
	[tilespmem:$0x8100] =	vst v63  }
0x24: {  	_ =	swait.ge [sflag:s4], $0x8000  }
0x25: {  	[sflag:s4] =	ssyncset.done $0x0  }
.LBB2_2:
0x26: {  	[sflag:s4] =	ssyncadd.s32 $0xFFFF8000  }
0x27: {  	_ =	sfence.sel $0x180000  }
0x28: {  	[bflag:$0x0] =	sbarrier.arrive $0xFFFF  }
0x29: {  	p0 =	sne.s32 s0, $0x0;
	_ =	strace $0x90000053  }
0x2a: {  	s0 =	sadd.s32 @!p0 $0x100000, s2;
	[bflag:$0x2] =	sbarrier.arrive $0xFFFF  }
0x2b: {  	[sflag:s0] =	ssyncadd.tile.s32 @!p0 $0x1;
	_ =	shalt  }
.Lfunc_end2:
_tile_overlayer_lowered:
.L_overlay_start_2:
0x2c: {  	(tag) =	ssettag $0x2  }
0x2d: {  	s0 =	rddreg [dreg:$0x0];
	s2 =	stileid.u32  }
0x2e: {  	s1 =	rddreg [dreg:$0x1];
	p0 =	sne.s32 s2, $0x0  }
0x2f: {  	s3 =	rddreg [dreg:$0x2];
	[bflag:$0x3] =	sbarrier.arrive $0xFFFF;
	s2 =	simm.s32 @!p0 $0x1C02  }
0x30: {  	[timem:s3], [sflag:s2] =	dma.local @!p0 [hbm:s0], s1  }
0x31: {  	s0 =	simm.s32 @!p0 $0x2  }
0x32: {  	_ =	swait.ge @!p0 [sflag:s0], s1  }
0x33: {  	s1 =	ssub.s32 @!p0 $0x0, s1;
	[sflag:s0] =	ssyncset.done @!p0 $0x0  }
0x34: {  	[sflag:s0] =	ssyncadd.s32 @!p0 s1  }
0x35: {  	[bflag:$0x3] =	sbarrier.arrive $0xFFFF  }
0x36: {  	_ =	shalt  }

// kernel: kernel.15.cloned.1.call-start
scs
__scs_entry_jumppad:
0x0: {  	(pc) =	sbr.rel $0x88, $3  }
0x1: {  	(tag) =	ssettag $0x0;
	lr =	simm.s32 $0x1  }
0x2: {  	[smem:$0x3F70] =	sst lr;
	_ =	strace $0xD0000000  }
0x3: {  	_ = 	snop  }
0x4: {  	_ = 	snop  }
0x5: {  	_ = 	snop  }
0x6: {  	_ = 	snop  }
0x7: {  	_ = 	snop  }
__scs_overlays_trampoline_lowered:
0x8: {  	[smem:$0x3F7F] =	sst s0  }
0x9: {  	[smem:$0x3F80] =	sst s1  }
0xa: {  	[smem:$0x3F81] =	sst s2  }
0xb: {  	[smem:$0x3F82] =	sst s3  }
0xc: {  	[smem:$0x3F83] =	sst s4  }
0xd: {  	[smem:$0x3F84] =	sst s5  }
0xe: {  	[smem:$0x3F85] =	sst s6  }
0xf: {  	[smem:$0x3F86] =	sst s7  }
0x10: {  	[smem:$0x3F87] =	sst s8  }
0x11: {  	[smem:$0x3F88] =	sst s9;
	s0 =	simm.s32 @!p0 $0x0  }
0x12: {  	s1 =	sld [smem:$0x3F6E];
	s0 =	simm.s32 @p0 $0x1  }
0x13: {  	[smem:$0x3F89] =	sst s0;
	s0 =	simm.s32 @!p1 $0x0  }
0x14: {  	s2 =	sld [smem:$0x3F6D];
	s0 =	simm.s32 @p1 $0x1  }
0x15: {  	[smem:$0x3F8A] =	sst s0;
	s0 =	simm.s32 @!p2 $0x0  }
0x16: {  	s3 =	sld [smem:$0x3FDB];
	s0 =	simm.s32 @p2 $0x1  }
0x17: {  	s4 =	simm.s32 $0x1BF5;
	[smem:$0x3F8C] =	sst s0  }
0x18: {  	s0 =	sld [smem:$0x3F6F];
	_ =	swait.ge [sflag:s4], $0x0  }
0x19: {  	s7 =	sld [smem:$0x3F70]  }
0x1a: {  	s8 =	sadd.s32 $0xFFFFE003, lr  }
0x1b: {  	s9 =	sadd.s32 $0xFFFFFEF7, lr;
	s5 =	simm.s32 $0xFFFFFFFF;
	p2 =	slt.u32 s8, $0xFFFFF086  }
0x1c: {  	p1 =	slt.u32 s9, $0xF7A;
	s5 =	simm.s32 @!p2 $0x0  }
0x1d: {  	s5 =	simm.s32 @p1 $0x1;
	p0 =	seq.s32 s7, s2  }
0x1e: {  	s7 =	smul.u32 @!p0 $0xF7A, s2;
	p2 =	seq.s32 @!p0 s5, $0x0  }
0x1f: {  	s9 =	smul.u32 $0xF7A, s1;
	s8 =	simm.s32 @!p0 $0x1BF5;
	p2 =	por !p2, p0  }
0x20: {  	[sflag:s8] =	ssyncset.s32 @!p0 $0xFFFFF086;
	s6 =	sadd.s32 @!p0 s3, s7;
	s7 =	simm.s32 @!p0 $0x108  }
0x21: {  	s3 =	sadd.s32 s3, s9;
	s6 =	sadd.s32 @!p0 $0x88, s6;
	s7 =	simm.s32 @p2 $0x1082  }
0x22: {  	[simem:s7], [sflag:s8] =	dma.local @!p0 [hbm:s6], $0xF7A  }
0x23: {  	s9 =	sor.u32 $0xD0000000, s2;
	s6 =	simm.s32 $0x108;
	_ =	swait.ge @!p0 [sflag:s8], $0x0  }
0x24: {  	s3 =	sadd.s32 $0x88, s3;
	s6 =	simm.s32 @!p1 $0x1082;
	[sflag:s4] =	ssyncset.s32 $0xFFFFF086  }
0x25: {  	[simem:s6], [sflag:s4] =	dma.local [hbm:s3], $0xF7A  }
0x26: {  	[smem:$0x3F70] =	sst s1;
	(tag) =	ssettag s2;
	_ =	strace s9  }
0x27: {  	s1 =	sld [smem:$0x3F80]  }
0x28: {  	s2 =	sld [smem:$0x3F81]  }
0x29: {  	s4 =	sld [smem:$0x3F83]  }
0x2a: {  	p0 =	seq.s32 s5, $0x0;
	s5 =	sld [smem:$0x3F84]  }
0x2b: {  	s6 =	sld [smem:$0x3F85]  }
0x2c: {  	s7 =	sld [smem:$0x3F86]  }
0x2d: {  	s3 =	simm.s32 $0x108;
	s8 =	sld [smem:$0x3F87]  }
0x2e: {  	s3 =	simm.s32 @!p0 $0x1082;
	s9 =	sld [smem:$0x3F88]  }
0x2f: {  	lr =	sadd.s32 s0, s3;
	s0 =	sld [smem:$0x3F7F]  }
0x30: {  	s3 =	sld [smem:$0x3F82]  }
0x31: {  	[smem:$0x3F8B] =	sst s10  }
0x32: {  	s10 =	sld [smem:$0x3F89];
	_ =	sdelay $0x3  }
0x33: {  	p0 =	seq.s32 s10, $0x1;
	s10 =	sld [smem:$0x3F8B];
	_ =	sdelay $0x3  }
0x34: {  	[smem:$0x3F8B] =	sst s10  }
0x35: {  	s10 =	sld [smem:$0x3F8A];
	_ =	sdelay $0x3  }
0x36: {  	p1 =	seq.s32 s10, $0x1;
	s10 =	sld [smem:$0x3F8B];
	_ =	sdelay $0x3  }
0x37: {  	[smem:$0x3F8B] =	sst s10  }
0x38: {  	s10 =	sld [smem:$0x3F8C]  }
0x39: {  	_ = 	snop;
	(pc) =	sbr.ind lr, $3  }
0x3a: {  	_ = 	snop  }
0x3b: {  	_ = 	snop  }
0x3c: {  	p2 =	seq.s32 s10, $0x1;
	s10 =	sld [smem:$0x3F8B]  }
0x3d: {  	_ =	shalt  }
0x3e: {  	_ =	shalt  }
0x3f: {  	_ =	shalt  }
0x40: {  	_ =	shalt  }
0x41: {  	_ =	shalt  }
0x42: {  	_ =	shalt  }
0x43: {  	_ =	shalt  }
0x44: {  	_ =	shalt  }
0x45: {  	_ =	shalt  }
0x46: {  	_ =	shalt  }
0x47: {  	_ =	shalt  }
0x48: {  	_ =	shalt  }
0x49: {  	_ =	shalt  }
0x4a: {  	_ =	shalt  }
0x4b: {  	_ =	shalt  }
0x4c: {  	_ =	shalt  }
0x4d: {  	_ =	shalt  }
0x4e: {  	_ =	shalt  }
0x4f: {  	_ =	shalt  }
0x50: {  	_ =	shalt  }
0x51: {  	_ =	shalt  }
0x52: {  	_ =	shalt  }
0x53: {  	_ =	shalt  }
0x54: {  	_ =	shalt  }
0x55: {  	_ =	shalt  }
0x56: {  	_ =	shalt  }
0x57: {  	_ =	shalt  }
0x58: {  	_ =	shalt  }
0x59: {  	_ =	shalt  }
0x5a: {  	_ =	shalt  }
0x5b: {  	_ =	shalt  }
0x5c: {  	_ =	shalt  }
0x5d: {  	_ =	shalt  }
0x5e: {  	_ =	shalt  }
0x5f: {  	_ =	shalt  }
0x60: {  	_ =	shalt  }
0x61: {  	_ =	shalt  }
0x62: {  	_ =	shalt  }
0x63: {  	_ =	shalt  }
0x64: {  	_ =	shalt  }
0x65: {  	_ =	shalt  }
0x66: {  	_ =	shalt  }
0x67: {  	_ =	shalt  }
0x68: {  	_ =	shalt  }
0x69: {  	_ =	shalt  }
0x6a: {  	_ =	shalt  }
0x6b: {  	_ =	shalt  }
0x6c: {  	_ =	shalt  }
0x6d: {  	_ =	shalt  }
0x6e: {  	_ =	shalt  }
0x6f: {  	_ =	shalt  }
0x70: {  	_ =	shalt  }
0x71: {  	_ =	shalt  }
0x72: {  	_ =	shalt  }
0x73: {  	_ =	shalt  }
0x74: {  	_ =	shalt  }
0x75: {  	_ =	shalt  }
0x76: {  	_ =	shalt  }
0x77: {  	_ =	shalt  }
0x78: {  	_ =	shalt  }
0x79: {  	_ =	shalt  }
0x7a: {  	_ =	shalt  }
0x7b: {  	_ =	shalt  }
0x7c: {  	_ =	shalt  }
0x7d: {  	_ =	shalt  }
0x7e: {  	_ =	shalt  }
0x7f: {  	_ =	shalt  }
0x80: {  	_ =	shalt  }
0x81: {  	_ =	shalt  }
0x82: {  	_ =	shalt  }
0x83: {  	_ =	shalt  }
0x84: {  	_ =	shalt  }
0x85: {  	_ =	shalt  }
0x86: {  	_ =	shalt  }
0x87: {  	_ =	shalt  }
.Lfunc_end0:
.L_simem_size_0:
called_computation.5_lowered:
.L_overlay_start_0:
0x88: {  	s2 =	sld [smem:$0x3FD9]  }
0x89: {  	s3 =	sld [smem:$0x3FFE];
	_ =	sdelay $0x1  }
0x8a: {  	s1 =	srdreg.scid  }
0x8b: {  	s0 =	sand.u32 $0x1, s1  }
0x8c: {  	s14 =	sshll.u32 s0, $0xA;
	s2 =	sadd.s32 s3, s2  }
0x8d: {  	s2 =	sadd.s32 s2, s14  }
0x8e: {  	[smem:$0x3F97] =	sst s2  }
0x8f: {  	_ = 	snop  }
0x90: {  	s2 =	sld [smem:$0x3FD0];
	_ =	sdelay $0x2  }
0x91: {  	s15 =	simm.s32 $0xA;
	s4 =	simm.s32 $0x10  }
0x92: {  	[smem:s4], [sflag:s15] =	dma.local [hbm:s2], $0x1  }
0x93: {  	_ =	swait.eq [sflag:s15], $0x1  }
0x94: {  	[sflag:s15] =	ssyncset.done $0x0  }
0x95: {  	s16 =	sld [smem:$0x12];
	[sflag:s15] =	ssyncadd.s32 $0xFFFFFFFF  }
0x96: {  	s17 =	sld [smem:$0x13];
	(tm) =	ssettm $0x1  }
0x97: {  	s18 =	sld [smem:$0x3FFB];
	_ =	sdelay $0x3  }
0x98: {  	_ =	strace s18  }
0x99: {  	s4 =	sld [smem:$0x3FFC];
	_ =	sdelay $0x3  }
0x9a: {  	_ =	strace s4  }
0x9b: {  	s4 =	sld [smem:$0x3FFD];
	_ =	sdelay $0x3  }
0x9c: {  	_ =	strace s4  }
0x9d: {  	_ =	strace $0x8FFFFFFF  }
0x9e: {  	s19 =	sld [smem:$0x3FDB];
	_ =	sdelay $0x1  }
0x9f: {  	s5 =	simm.s32 $_scs_section_size  }
0xa0: {  	s6 =	simm.s32 $_size__tile_overlayer_lowered;
	s7 =	simm.s32 $_tile_overlayer_lowered  }
0xa1: {  	s22 =	simm.s32 $0x1BFF;
	s21 =	sshll.u32 s7, $0x1;
	s4 =	sadd.s32 s5, s19  }
0xa2: {  	s8 =	simm.s32 $0x0;
	s20 =	sshll.u32 s6, $0x1;
	s6 =	sadd.s32 s21, s4  }
0xa3: {  	[timem:s8], [sflag:s22] =	dma.local [hbm:s6], s20  }
0xa4: {  	_ =	swait.ge [sflag:s22], s20  }
0xa5: {  	s5 =	ssub.s32 $0x0, s20;
	[sflag:s22] =	ssyncset.done $0x0  }
0xa6: {  	[sflag:s22] =	ssyncadd.s32 s5;
	_ =	sdelay $0x1  }
0xa7: {  	s23 =	simm.s32 $0x1B8B  }
0xa8: {  	_ =	swait.ge [sflag:s23], $0x1  }
0xa9: {  	[sflag:s23] =	ssyncset.done $0x0  }
0xaa: {  	s25 =	simm.s32 $0x1B8E;
	s24 =	sld [smem:$0x3FFE];
	[sflag:s23] =	ssyncadd.s32 $0xFFFFFFFF  }
0xab: {  	s26 =	simm.s32 $execute0_lowered;
	[smem:$0x3FD2] =	sst s25  }
0xac: {  	s6 =	sshll.u32 s26, $0x1;
	_ =	strace $0x80000055;
	[dreg:$0x1] =	wrdreg $0xFFFFFFFF  }
0xad: {  	s28 =	simm.s32 $_size_execute0_lowered;
	s4 =	sadd.s32 s4, s6;
	[dreg:$0x0] =	wrdreg $0x0  }
0xae: {  	s6 =	sshll.u32 s28, $0x1;
	[dreg:$0x2] =	wrdreg s4  }
0xaf: {  	[dreg:$0x3] =	wrdreg s6  }
0xb0: {  	[dreg:$0x4] =	wrdreg $0xC0  }
0xb1: {  	_ =	task [dreg:s8], $0x5FFFF  }
0xb2: {  	[dreg:$0x1] =	wrdreg $0xFFFFFFFF  }
0xb3: {  	[dreg:$0x0] =	wrdreg $0x60  }
0xb4: {  	[dreg:$0x2] =	wrdreg s16  }
0xb5: {  	[dreg:$0x3] =	wrdreg s17  }
0xb6: {  	[dreg:$0x4] =	wrdreg s24  }
0xb7: {  	[dreg:$0x5] =	wrdreg $0x9  }
0xb8: {  	_ =	task.clear_ibuf [dreg:s8], $0x6FFFF;
	_ =	strace $0x90000055  }
0xb9: {  	s29 =	simm.s32 $0x9;
	_ =	strace $0x80000057  }
0xba: {  	_ =	swait.ge [sflag:s29], $0x1  }
0xbb: {  	[sflag:s29] =	ssyncadd.s32 $0xFFFFFFFF  }
0xbc: {  	_ =	strace $0x90000057  }
0xbd: {  	_ =	sfence  }
0xbe: {  	s30 =	sld [smem:$0x0];
	_ =	sdelay $0x2  }
0xbf: {  	s31 =	sshll.u32 s1, $0xD;
	s1 =	sshrl.u32 s1, $0x2  }
0xc0: {  	s3 =	sand.u32 $0x4000, s31;
	s1 =	sadd.s32 s1, s30  }
0xc1: {  	s0 =	sor.u32 s3, s0;
	s1 =	sshll.u32 s1, $0x11  }
0xc2: {  	s0 =	sor.u32 s1, s0  }
0xc3: {  	s0 =	sadd.s32 $0x8F2B, s0  }
0xc4: {  	[sflag:s0] =	ssyncadd.remote.s32 $0x1  }
0xc5: {  	_ =	sfence.sel $0xFFFF  }
0xc6: {  	[dreg:$0x0] =	wrdreg $0xFFFFFFFF;
	(pc) =	sbr.abs _section_cstart, $3  }
0xc7: {  	[dreg:$0x1] =	wrdreg $0xFFFFFFFF  }
0xc8: {  	_ =	task.clear_ibuf [dreg:s8], $0x2FFFF;
	_ =	strace $0x9FFFFFFF  }
0xc9: {  	(tm) =	ssettm $0x7FFFFFFF  }
tec
execute0_lowered:
.L_overlay_start_1:
0x0: {  	(tag) =	ssettag $0x1  }
0x1: {  	s1 =	rddreg [dreg:$0x0]  }
0x2: {  	s2 =	srdreg.scid;
	s4 =	rddreg [dreg:$0x1]  }
0x3: {  	s0 =	stileid.u32;
	s8 =	rddreg [dreg:$0x2];
	s6 =	sand.u32 $0x1, s2  }
0x4: {  	s3 =	simm.s32 $0x0;
	s5 =	sshll.u32 s0, $0x7;
	s7 =	sshll.u32 s6, $0x6  }
0x5: {  	[smem:$0x7FF] =	sst s3;
	s9 =	sor.u32 s7, s5  }
0x6: {  	s2 =	rddreg [dreg:$0x3];
	_ =	strace $0x80000056;
	s5 =	sshrl.u32 s9, $0x3  }
0x7: {  	s10 =	ssub.s32 $0x2, s6;
	s5 =	sadd.s32 s4, s5;
	s4 =	simm.s32 $0x2  }
0x8: {  	[tilespmem:s3], [sflag:$0x2] =	stream.linear.gather [hbm4b:s5+s3], $0x40, $0x38;
	[tilespmem:$0x4040] =	vst v63  }
0x9: {  	s11 =	sshrl.u32 s10, $0x1;
	_ =	swait.ge [sflag:s4], $0x40  }
0xa: {  	s6 =	simm.s32 $0x40;
	s10 =	ssub.s32 s10, s11;
	[sflag:s4] =	ssyncset.done $0x0  }
0xb: {  	s7 =	simm.s32 $0x1;
	s31 =	smax.u32 s10, $0x1;
	[sflag:s4] =	ssyncadd.s32 $0xFFFFFFC0  }
0xc: {  	[tilespmem:s6], [sflag:$0x1] =	stream.indirect.gather [hbm4b:s1+s6], $0x100, s3, s6, $0xb8;
	[tilespmem:$0x4040] =	vst v63  }
0xd: {  	p0 =	sne.s32 s31, $0x1;
	_ =	swait.ge [sflag:s7], $0x4000  }
.Ltmp0:
0xe: {  	s9 =	sshll.u32 s9, $0x5;
	[sflag:s7] =	ssyncset.done $0x0;
	(pc) =	sbr.rel @!p0 .LBB2_2-.Ltmp0, $4  }
0xf: {  	s8 =	sadd.s32 s8, s9;
	[sflag:s7] =	ssyncadd.s32 $0xFFFFC000  }
0x10: {  	[hbm4b:s8+s3] =	stream.linear.scatter [tilespmem:s6], [sflag:$0x2], $0x4000, $0x38;
	[tilespmem:$0x4040] =	vst v63  }
0x11: {  	_ =	swait.ge [sflag:s4], $0x4000  }
0x12: {  	s9 =	sadd.s32 $0xFFFFFFFF, s31;
	[sflag:s4] =	ssyncset.done $0x0  }
.LBB2_1:
0x13: {  	p0 =	sne.s32 s9, $0x1;
	s9 =	sadd.s32 $0xFFFFFFFF, s9;
	[sflag:s4] =	ssyncadd.s32 $0xFFFFC000  }
0x14: {  	[tilespmem:s3], [sflag:$0x2] =	stream.linear.gather [hbm4b:s5+s3], $0x40, $0x38;
	[tilespmem:$0x4040] =	vst v63  }
0x15: {  	_ =	swait.ge [sflag:s4], $0x40  }
0x16: {  	[sflag:s4] =	ssyncset.done $0x0  }
0x17: {  	[sflag:s4] =	ssyncadd.s32 $0xFFFFFFC0  }
0x18: {  	[tilespmem:s6], [sflag:$0x1] =	stream.indirect.gather [hbm4b:s1+s6], $0x100, s3, s6, $0xb8;
	[tilespmem:$0x4040] =	vst v63  }
0x19: {  	_ =	swait.ge [sflag:s7], $0x4000  }
.Ltmp1:
0x1a: {  	[sflag:s7] =	ssyncset.done $0x0;
	(pc) =	sbr.rel @p0 .LBB2_1-.Ltmp1, $4  }
0x1b: {  	[sflag:s7] =	ssyncadd.s32 $0xFFFFC000  }
0x1c: {  	[hbm4b:s8+s3] =	stream.linear.scatter [tilespmem:s6], [sflag:$0x2], $0x4000, $0x38;
	[tilespmem:$0x4040] =	vst v63  }
0x1d: {  	_ =	swait.ge [sflag:s4], $0x4000  }
0x1e: {  	[sflag:s4] =	ssyncset.done $0x0  }
.LBB2_2:
0x1f: {  	[sflag:s4] =	ssyncadd.s32 $0xFFFFC000  }
0x20: {  	_ =	sfence.sel $0x180000  }
0x21: {  	[bflag:$0x0] =	sbarrier.arrive $0xFFFF  }
0x22: {  	p0 =	sne.s32 s0, $0x0;
	_ =	strace $0x90000056  }
0x23: {  	s0 =	sadd.s32 @!p0 $0x100000, s2;
	[bflag:$0x2] =	sbarrier.arrive $0xFFFF  }
0x24: {  	[sflag:s0] =	ssyncadd.tile.s32 @!p0 $0x1;
	_ =	shalt  }
.Lfunc_end2:
_tile_overlayer_lowered:
.L_overlay_start_2:
0x25: {  	(tag) =	ssettag $0x2  }
0x26: {  	s0 =	rddreg [dreg:$0x0];
	s2 =	stileid.u32  }
0x27: {  	s1 =	rddreg [dreg:$0x1];
	p0 =	sne.s32 s2, $0x0  }
0x28: {  	s3 =	rddreg [dreg:$0x2];
	[bflag:$0x3] =	sbarrier.arrive $0xFFFF;
	s2 =	simm.s32 @!p0 $0x1C02  }
0x29: {  	[timem:s3], [sflag:s2] =	dma.local @!p0 [hbm:s0], s1  }
0x2a: {  	s0 =	simm.s32 @!p0 $0x2  }
0x2b: {  	_ =	swait.ge @!p0 [sflag:s0], s1  }
0x2c: {  	s1 =	ssub.s32 @!p0 $0x0, s1;
	[sflag:s0] =	ssyncset.done @!p0 $0x0  }
0x2d: {  	[sflag:s0] =	ssyncadd.s32 @!p0 s1  }
0x2e: {  	[bflag:$0x3] =	sbarrier.arrive $0xFFFF  }
0x2f: {  	_ =	shalt  }

// kernel: kernel.6.cloned.1.call-start
scs
__scs_entry_jumppad:
0x0: {  	(pc) =	sbr.rel $0x88, $3  }
0x1: {  	(tag) =	ssettag $0x0;
	lr =	simm.s32 $0x1  }
0x2: {  	[smem:$0x3F70] =	sst lr;
	_ =	strace $0xD0000000  }
0x3: {  	_ = 	snop  }
0x4: {  	_ = 	snop  }
0x5: {  	_ = 	snop  }
0x6: {  	_ = 	snop  }
0x7: {  	_ = 	snop  }
__scs_overlays_trampoline_lowered:
0x8: {  	[smem:$0x3F7F] =	sst s0  }
0x9: {  	[smem:$0x3F80] =	sst s1  }
0xa: {  	[smem:$0x3F81] =	sst s2  }
0xb: {  	[smem:$0x3F82] =	sst s3  }
0xc: {  	[smem:$0x3F83] =	sst s4  }
0xd: {  	[smem:$0x3F84] =	sst s5  }
0xe: {  	[smem:$0x3F85] =	sst s6  }
0xf: {  	[smem:$0x3F86] =	sst s7  }
0x10: {  	[smem:$0x3F87] =	sst s8  }
0x11: {  	[smem:$0x3F88] =	sst s9;
	s0 =	simm.s32 @!p0 $0x0  }
0x12: {  	s1 =	sld [smem:$0x3F6E];
	s0 =	simm.s32 @p0 $0x1  }
0x13: {  	[smem:$0x3F89] =	sst s0;
	s0 =	simm.s32 @!p1 $0x0  }
0x14: {  	s2 =	sld [smem:$0x3F6D];
	s0 =	simm.s32 @p1 $0x1  }
0x15: {  	[smem:$0x3F8A] =	sst s0;
	s0 =	simm.s32 @!p2 $0x0  }
0x16: {  	s3 =	sld [smem:$0x3FDB];
	s0 =	simm.s32 @p2 $0x1  }
0x17: {  	s4 =	simm.s32 $0x1BF5;
	[smem:$0x3F8C] =	sst s0  }
0x18: {  	s0 =	sld [smem:$0x3F6F];
	_ =	swait.ge [sflag:s4], $0x0  }
0x19: {  	s7 =	sld [smem:$0x3F70]  }
0x1a: {  	s8 =	sadd.s32 $0xFFFFE003, lr  }
0x1b: {  	s9 =	sadd.s32 $0xFFFFFEF7, lr;
	s5 =	simm.s32 $0xFFFFFFFF;
	p2 =	slt.u32 s8, $0xFFFFF086  }
0x1c: {  	p1 =	slt.u32 s9, $0xF7A;
	s5 =	simm.s32 @!p2 $0x0  }
0x1d: {  	s5 =	simm.s32 @p1 $0x1;
	p0 =	seq.s32 s7, s2  }
0x1e: {  	s7 =	smul.u32 @!p0 $0xF7A, s2;
	p2 =	seq.s32 @!p0 s5, $0x0  }
0x1f: {  	s9 =	smul.u32 $0xF7A, s1;
	s8 =	simm.s32 @!p0 $0x1BF5;
	p2 =	por !p2, p0  }
0x20: {  	[sflag:s8] =	ssyncset.s32 @!p0 $0xFFFFF086;
	s6 =	sadd.s32 @!p0 s3, s7;
	s7 =	simm.s32 @!p0 $0x108  }
0x21: {  	s3 =	sadd.s32 s3, s9;
	s6 =	sadd.s32 @!p0 $0x88, s6;
	s7 =	simm.s32 @p2 $0x1082  }
0x22: {  	[simem:s7], [sflag:s8] =	dma.local @!p0 [hbm:s6], $0xF7A  }
0x23: {  	s9 =	sor.u32 $0xD0000000, s2;
	s6 =	simm.s32 $0x108;
	_ =	swait.ge @!p0 [sflag:s8], $0x0  }
0x24: {  	s3 =	sadd.s32 $0x88, s3;
	s6 =	simm.s32 @!p1 $0x1082;
	[sflag:s4] =	ssyncset.s32 $0xFFFFF086  }
0x25: {  	[simem:s6], [sflag:s4] =	dma.local [hbm:s3], $0xF7A  }
0x26: {  	[smem:$0x3F70] =	sst s1;
	(tag) =	ssettag s2;
	_ =	strace s9  }
0x27: {  	s1 =	sld [smem:$0x3F80]  }
0x28: {  	s2 =	sld [smem:$0x3F81]  }
0x29: {  	s4 =	sld [smem:$0x3F83]  }
0x2a: {  	p0 =	seq.s32 s5, $0x0;
	s5 =	sld [smem:$0x3F84]  }
0x2b: {  	s6 =	sld [smem:$0x3F85]  }
0x2c: {  	s7 =	sld [smem:$0x3F86]  }
0x2d: {  	s3 =	simm.s32 $0x108;
	s8 =	sld [smem:$0x3F87]  }
0x2e: {  	s3 =	simm.s32 @!p0 $0x1082;
	s9 =	sld [smem:$0x3F88]  }
0x2f: {  	lr =	sadd.s32 s0, s3;
	s0 =	sld [smem:$0x3F7F]  }
0x30: {  	s3 =	sld [smem:$0x3F82]  }
0x31: {  	[smem:$0x3F8B] =	sst s10  }
0x32: {  	s10 =	sld [smem:$0x3F89];
	_ =	sdelay $0x3  }
0x33: {  	p0 =	seq.s32 s10, $0x1;
	s10 =	sld [smem:$0x3F8B];
	_ =	sdelay $0x3  }
0x34: {  	[smem:$0x3F8B] =	sst s10  }
0x35: {  	s10 =	sld [smem:$0x3F8A];
	_ =	sdelay $0x3  }
0x36: {  	p1 =	seq.s32 s10, $0x1;
	s10 =	sld [smem:$0x3F8B];
	_ =	sdelay $0x3  }
0x37: {  	[smem:$0x3F8B] =	sst s10  }
0x38: {  	s10 =	sld [smem:$0x3F8C]  }
0x39: {  	_ = 	snop;
	(pc) =	sbr.ind lr, $3  }
0x3a: {  	_ = 	snop  }
0x3b: {  	_ = 	snop  }
0x3c: {  	p2 =	seq.s32 s10, $0x1;
	s10 =	sld [smem:$0x3F8B]  }
0x3d: {  	_ =	shalt  }
0x3e: {  	_ =	shalt  }
0x3f: {  	_ =	shalt  }
0x40: {  	_ =	shalt  }
0x41: {  	_ =	shalt  }
0x42: {  	_ =	shalt  }
0x43: {  	_ =	shalt  }
0x44: {  	_ =	shalt  }
0x45: {  	_ =	shalt  }
0x46: {  	_ =	shalt  }
0x47: {  	_ =	shalt  }
0x48: {  	_ =	shalt  }
0x49: {  	_ =	shalt  }
0x4a: {  	_ =	shalt  }
0x4b: {  	_ =	shalt  }
0x4c: {  	_ =	shalt  }
0x4d: {  	_ =	shalt  }
0x4e: {  	_ =	shalt  }
0x4f: {  	_ =	shalt  }
0x50: {  	_ =	shalt  }
0x51: {  	_ =	shalt  }
0x52: {  	_ =	shalt  }
0x53: {  	_ =	shalt  }
0x54: {  	_ =	shalt  }
0x55: {  	_ =	shalt  }
0x56: {  	_ =	shalt  }
0x57: {  	_ =	shalt  }
0x58: {  	_ =	shalt  }
0x59: {  	_ =	shalt  }
0x5a: {  	_ =	shalt  }
0x5b: {  	_ =	shalt  }
0x5c: {  	_ =	shalt  }
0x5d: {  	_ =	shalt  }
0x5e: {  	_ =	shalt  }
0x5f: {  	_ =	shalt  }
0x60: {  	_ =	shalt  }
0x61: {  	_ =	shalt  }
0x62: {  	_ =	shalt  }
0x63: {  	_ =	shalt  }
0x64: {  	_ =	shalt  }
0x65: {  	_ =	shalt  }
0x66: {  	_ =	shalt  }
0x67: {  	_ =	shalt  }
0x68: {  	_ =	shalt  }
0x69: {  	_ =	shalt  }
0x6a: {  	_ =	shalt  }
0x6b: {  	_ =	shalt  }
0x6c: {  	_ =	shalt  }
0x6d: {  	_ =	shalt  }
0x6e: {  	_ =	shalt  }
0x6f: {  	_ =	shalt  }
0x70: {  	_ =	shalt  }
0x71: {  	_ =	shalt  }
0x72: {  	_ =	shalt  }
0x73: {  	_ =	shalt  }
0x74: {  	_ =	shalt  }
0x75: {  	_ =	shalt  }
0x76: {  	_ =	shalt  }
0x77: {  	_ =	shalt  }
0x78: {  	_ =	shalt  }
0x79: {  	_ =	shalt  }
0x7a: {  	_ =	shalt  }
0x7b: {  	_ =	shalt  }
0x7c: {  	_ =	shalt  }
0x7d: {  	_ =	shalt  }
0x7e: {  	_ =	shalt  }
0x7f: {  	_ =	shalt  }
0x80: {  	_ =	shalt  }
0x81: {  	_ =	shalt  }
0x82: {  	_ =	shalt  }
0x83: {  	_ =	shalt  }
0x84: {  	_ =	shalt  }
0x85: {  	_ =	shalt  }
0x86: {  	_ =	shalt  }
0x87: {  	_ =	shalt  }
.Lfunc_end0:
.L_simem_size_0:
called_computation.2_lowered:
.L_overlay_start_0:
0x88: {  	s2 =	sld [smem:$0x3FD9]  }
0x89: {  	s3 =	sld [smem:$0x3FFE];
	_ =	sdelay $0x1  }
0x8a: {  	s1 =	srdreg.scid  }
0x8b: {  	s0 =	sand.u32 $0x1, s1  }
0x8c: {  	s14 =	sshll.u32 s0, $0xA;
	s2 =	sadd.s32 s3, s2  }
0x8d: {  	s2 =	sadd.s32 s2, s14  }
0x8e: {  	[smem:$0x3F97] =	sst s2  }
0x8f: {  	_ = 	snop  }
0x90: {  	s2 =	sld [smem:$0x3FD0];
	_ =	sdelay $0x2  }
0x91: {  	s15 =	simm.s32 $0xA;
	s4 =	simm.s32 $0x10  }
0x92: {  	[smem:s4], [sflag:s15] =	dma.local [hbm:s2], $0x1  }
0x93: {  	_ =	swait.eq [sflag:s15], $0x1  }
0x94: {  	[sflag:s15] =	ssyncset.done $0x0  }
0x95: {  	[sflag:s15] =	ssyncadd.s32 $0xFFFFFFFF  }
0x96: {  	s16 =	sld [smem:$0x11];
	(tm) =	ssettm $0x1  }
0x97: {  	s17 =	sld [smem:$0x3FFB];
	_ =	sdelay $0x3  }
0x98: {  	_ =	strace s17  }
0x99: {  	s3 =	sld [smem:$0x3FFC];
	_ =	sdelay $0x3  }
0x9a: {  	_ =	strace s3  }
0x9b: {  	s3 =	sld [smem:$0x3FFD];
	_ =	sdelay $0x3  }
0x9c: {  	_ =	strace s3  }
0x9d: {  	_ =	strace $0x8FFFFFFF  }
0x9e: {  	s18 =	sld [smem:$0x3FDB];
	_ =	sdelay $0x1  }
0x9f: {  	s19 =	simm.s32 $_scs_section_size  }
0xa0: {  	s5 =	simm.s32 $_size__tile_overlayer_lowered;
	s6 =	simm.s32 $_tile_overlayer_lowered  }
0xa1: {  	s22 =	simm.s32 $0x1BFF;
	s21 =	sshll.u32 s6, $0x1;
	s3 =	sadd.s32 s19, s18  }
0xa2: {  	s7 =	simm.s32 $0x0;
	s20 =	sshll.u32 s5, $0x1;
	s5 =	sadd.s32 s21, s3  }
0xa3: {  	[timem:s7], [sflag:s22] =	dma.local [hbm:s5], s20  }
0xa4: {  	_ =	swait.ge [sflag:s22], s20  }
0xa5: {  	s4 =	ssub.s32 $0x0, s20;
	[sflag:s22] =	ssyncset.done $0x0  }
0xa6: {  	[sflag:s22] =	ssyncadd.s32 s4;
	_ =	sdelay $0x1  }
0xa7: {  	s23 =	simm.s32 $0x1B8B  }
0xa8: {  	_ =	swait.ge [sflag:s23], $0x1  }
0xa9: {  	[sflag:s23] =	ssyncset.done $0x0  }
0xaa: {  	s25 =	simm.s32 $0x1B8E;
	s24 =	sld [smem:$0x3FFE];
	[sflag:s23] =	ssyncadd.s32 $0xFFFFFFFF  }
0xab: {  	s26 =	simm.s32 $execute0_lowered;
	[smem:$0x3FD2] =	sst s25  }
0xac: {  	s5 =	sshll.u32 s26, $0x1;
	_ =	strace $0x8000004C;
	[dreg:$0x1] =	wrdreg $0xFFFFFFFF  }
0xad: {  	s28 =	simm.s32 $_size_execute0_lowered;
	s3 =	sadd.s32 s3, s5;
	[dreg:$0x0] =	wrdreg $0x0  }
0xae: {  	s5 =	sshll.u32 s28, $0x1;
	[dreg:$0x2] =	wrdreg s3  }
0xaf: {  	[dreg:$0x3] =	wrdreg s5  }
0xb0: {  	[dreg:$0x4] =	wrdreg $0xC0  }
0xb1: {  	_ =	task [dreg:s7], $0x5FFFF  }
0xb2: {  	[dreg:$0x1] =	wrdreg $0xFFFFFFFF  }
0xb3: {  	[dreg:$0x0] =	wrdreg $0x60  }
0xb4: {  	[dreg:$0x2] =	wrdreg s24  }
0xb5: {  	[dreg:$0x3] =	wrdreg s16  }
0xb6: {  	[dreg:$0x4] =	wrdreg $0x9  }
0xb7: {  	_ =	task.clear_ibuf [dreg:s7], $0x5FFFF;
	_ =	strace $0x9000004C  }
0xb8: {  	s29 =	simm.s32 $0x9;
	_ =	strace $0x8000004E  }
0xb9: {  	_ =	swait.ge [sflag:s29], $0x1  }
0xba: {  	[sflag:s29] =	ssyncadd.s32 $0xFFFFFFFF  }
0xbb: {  	_ =	strace $0x9000004E  }
0xbc: {  	_ =	sfence  }
0xbd: {  	s30 =	sld [smem:$0x0];
	_ =	sdelay $0x2  }
0xbe: {  	s31 =	sshll.u32 s1, $0xD;
	s1 =	sshrl.u32 s1, $0x2  }
0xbf: {  	s3 =	sand.u32 $0x4000, s31;
	s1 =	sadd.s32 s1, s30  }
0xc0: {  	s0 =	sor.u32 s3, s0;
	s1 =	sshll.u32 s1, $0x11  }
0xc1: {  	s0 =	sor.u32 s1, s0  }
0xc2: {  	s0 =	sadd.s32 $0x8F2B, s0  }
0xc3: {  	[sflag:s0] =	ssyncadd.remote.s32 $0x1  }
0xc4: {  	_ =	sfence.sel $0xFFFF  }
0xc5: {  	[dreg:$0x0] =	wrdreg $0xFFFFFFFF;
	(pc) =	sbr.abs _section_cstart, $3  }
0xc6: {  	[dreg:$0x1] =	wrdreg $0xFFFFFFFF  }
0xc7: {  	_ =	task.clear_ibuf [dreg:s7], $0x2FFFF;
	_ =	strace $0x9FFFFFFF  }
0xc8: {  	(tm) =	ssettm $0x7FFFFFFF  }
0xc9: {  	_ =	shalt  }
tec
execute0_lowered:
.L_overlay_start_1:
0x0: {  	(tag) =	ssettag $0x1  }
0x1: {  	s4 =	rddreg [dreg:$0x0]  }
0x2: {  	s5 =	rddreg [dreg:$0x1]  }
0x3: {  	s0 =	rddreg [dreg:$0x2]  }
0x4: {  	s3 =	srdreg.scid;
	s2 =	simm.s32 $0x0;
	s1 =	stileid.u32  }
0x5: {  	s9 =	simm.s32 $0x1;
	s10 =	simm.s32 $0x1000;
	s11 =	simm.s32 $0x0  }
0x6: {  	s6 =	sand.u32 $0x1, s3;
	[smem:$0x7FF] =	sst s2;
	s30 =	sshll.u32 s1, $0xD  }
0x7: {  	s3 =	sadd.s32 $0x200, s4;
	s7 =	sshll.u32 s6, $0xC;
	s6 =	ssub.s32 $0x2, s6  }
0x8: {  	_ =	strace $0x8000004D;
	s7 =	sor.u32 s7, s30;
	s31 =	sshrl.u32 s6, $0x1  }
0x9: {  	s8 =	sshll.u32 s7, $0x1;
	s7 =	sshrl.u32 s7, $0x3;
	s6 =	ssub.s32 s6, s31  }
0xa: {  	s8 =	sadd.s32 s8, s4;
	s4 =	sadd.s32 s5, s7;
	s6 =	smax.u32 s6, $0x1  }
0xb: {  	s7 =	simm.s32 $0x2;
	s5 =	sadd.s32 $0x10200, s8;
	s8 =	simm.s32 $0x80  }
.LBB2_1:
0xc: {  	[tilespmem:s2], [sflag:$0x2] =	stream.linear.gather [hbm4b:s4+s2], $0x1000, $0x38;
	[tilespmem:$0x11000] =	vst v63  }
0xd: {  	_ =	swait.ge [sflag:s7], $0x1000  }
0xe: {  	[sflag:s7] =	ssyncset.done $0x0  }
0xf: {  	s12 =	simm.s32 $0x0;
	[sflag:s7] =	ssyncadd.s32 $0xFFFFF000  }
0x10: {  	[tilespmem:s10], [sflag:$0x1] =	stream.indirect.gather [hbm4b:s3+s8], $0x10, s12, s8, $0xb8;
	[tilespmem:$0x11000] =	vst v63  }
0x11: {  	_ =	swait.ge [sflag:s9], $0x800  }
0x12: {  	s13 =	simm.s32 $0x1000;
	s12 =	simm.s32 $0x200;
	[sflag:s9] =	ssyncset.done $0x0  }
.LBB2_2:
0x13: {  	s14 =	sshra.s32 s12, $0x2  }
0x14: {  	[sflag:s9] =	ssyncadd.s32 $0xFFFFF800;
	s13 =	sadd.s32 $0x800, s13;
	p0 =	sne.s32 s12, $0x3E00  }
0x15: {  	[tilespmem:s13], [sflag:$0x1] =	stream.indirect.gather [hbm4b:s3+s8], $0x10, s14, s8, $0xb8;
	[tilespmem:$0x11000] =	vst v63  }
.Ltmp0:
0x16: {  	_ = 	snop;
	(pc) =	sbr.rel @p0 .LBB2_2-.Ltmp0, $4  }
0x17: {  	_ = 	snop  }
0x18: {  	s12 =	sadd.s32 $0x200, s12  }
0x19: {  	_ =	swait.ge [sflag:s9], $0x800  }
0x1a: {  	[sflag:s9] =	ssyncset.done $0x0  }
0x1b: {  	s11 =	sadd.s32 $0x1, s11  }
0x1c: {  	p0 =	sne.s32 s11, s6  }
.Ltmp1:
0x1d: {  	[sflag:s9] =	ssyncadd.s32 $0xFFFFF800;
	(pc) =	sbr.rel @p0 .LBB2_1-.Ltmp1, $4  }
0x1e: {  	[hbm4b:s5+s2] =	stream.linear.scatter [tilespmem:s10], [sflag:$0x2], $0x10000, $0x38;
	[tilespmem:$0x11000] =	vst v63  }
0x1f: {  	_ =	swait.ge [sflag:s7], $0x10000  }
0x20: {  	[sflag:s7] =	ssyncset.done $0x0  }
0x21: {  	[sflag:s7] =	ssyncadd.s32 $0xFFFF0000  }
0x22: {  	_ =	sfence.sel $0x180000  }
0x23: {  	[bflag:$0x0] =	sbarrier.arrive $0xFFFF  }
0x24: {  	p0 =	sne.s32 s1, $0x0;
	_ =	strace $0x9000004D  }
0x25: {  	s0 =	sadd.s32 @!p0 $0x100000, s0;
	[bflag:$0x2] =	sbarrier.arrive $0xFFFF  }
0x26: {  	[sflag:s0] =	ssyncadd.tile.s32 @!p0 $0x1;
	_ =	shalt  }
.Lfunc_end2:
_tile_overlayer_lowered:
.L_overlay_start_2:
0x27: {  	(tag) =	ssettag $0x2  }
0x28: {  	s0 =	rddreg [dreg:$0x0];
	s2 =	stileid.u32  }
0x29: {  	s1 =	rddreg [dreg:$0x1];
	p0 =	sne.s32 s2, $0x0  }
0x2a: {  	s3 =	rddreg [dreg:$0x2];
	[bflag:$0x3] =	sbarrier.arrive $0xFFFF;
	s2 =	simm.s32 @!p0 $0x1C02  }
0x2b: {  	[timem:s3], [sflag:s2] =	dma.local @!p0 [hbm:s0], s1  }
0x2c: {  	s0 =	simm.s32 @!p0 $0x2  }
0x2d: {  	_ =	swait.ge @!p0 [sflag:s0], s1  }
0x2e: {  	s1 =	ssub.s32 @!p0 $0x0, s1;
	[sflag:s0] =	ssyncset.done @!p0 $0x0  }
0x2f: {  	[sflag:s0] =	ssyncadd.s32 @!p0 s1  }
0x30: {  	[bflag:$0x3] =	sbarrier.arrive $0xFFFF  }
0x31: {  	_ =	shalt  }

// kernel: kernel.9.cloned.1.call-start
scs
__scs_entry_jumppad:
0x0: {  	(pc) =	sbr.rel $0x88, $3  }
0x1: {  	(tag) =	ssettag $0x0;
	lr =	simm.s32 $0x1  }
0x2: {  	[smem:$0x3F70] =	sst lr;
	_ =	strace $0xD0000000  }
0x3: {  	_ = 	snop  }
0x4: {  	_ = 	snop  }
0x5: {  	_ = 	snop  }
0x6: {  	_ = 	snop  }
0x7: {  	_ = 	snop  }
__scs_overlays_trampoline_lowered:
0x8: {  	[smem:$0x3F7F] =	sst s0  }
0x9: {  	[smem:$0x3F80] =	sst s1  }
0xa: {  	[smem:$0x3F81] =	sst s2  }
0xb: {  	[smem:$0x3F82] =	sst s3  }
0xc: {  	[smem:$0x3F83] =	sst s4  }
0xd: {  	[smem:$0x3F84] =	sst s5  }
0xe: {  	[smem:$0x3F85] =	sst s6  }
0xf: {  	[smem:$0x3F86] =	sst s7  }
0x10: {  	[smem:$0x3F87] =	sst s8  }
0x11: {  	[smem:$0x3F88] =	sst s9;
	s0 =	simm.s32 @!p0 $0x0  }
0x12: {  	s1 =	sld [smem:$0x3F6E];
	s0 =	simm.s32 @p0 $0x1  }
0x13: {  	[smem:$0x3F89] =	sst s0;
	s0 =	simm.s32 @!p1 $0x0  }
0x14: {  	s2 =	sld [smem:$0x3F6D];
	s0 =	simm.s32 @p1 $0x1  }
0x15: {  	[smem:$0x3F8A] =	sst s0;
	s0 =	simm.s32 @!p2 $0x0  }
0x16: {  	s3 =	sld [smem:$0x3FDB];
	s0 =	simm.s32 @p2 $0x1  }
0x17: {  	s4 =	simm.s32 $0x1BF5;
	[smem:$0x3F8C] =	sst s0  }
0x18: {  	s0 =	sld [smem:$0x3F6F];
	_ =	swait.ge [sflag:s4], $0x0  }
0x19: {  	s7 =	sld [smem:$0x3F70]  }
0x1a: {  	s8 =	sadd.s32 $0xFFFFE003, lr  }
0x1b: {  	s9 =	sadd.s32 $0xFFFFFEF7, lr;
	s5 =	simm.s32 $0xFFFFFFFF;
	p2 =	slt.u32 s8, $0xFFFFF086  }
0x1c: {  	p1 =	slt.u32 s9, $0xF7A;
	s5 =	simm.s32 @!p2 $0x0  }
0x1d: {  	s5 =	simm.s32 @p1 $0x1;
	p0 =	seq.s32 s7, s2  }
0x1e: {  	s7 =	smul.u32 @!p0 $0xF7A, s2;
	p2 =	seq.s32 @!p0 s5, $0x0  }
0x1f: {  	s9 =	smul.u32 $0xF7A, s1;
	s8 =	simm.s32 @!p0 $0x1BF5;
	p2 =	por !p2, p0  }
0x20: {  	[sflag:s8] =	ssyncset.s32 @!p0 $0xFFFFF086;
	s6 =	sadd.s32 @!p0 s3, s7;
	s7 =	simm.s32 @!p0 $0x108  }
0x21: {  	s3 =	sadd.s32 s3, s9;
	s6 =	sadd.s32 @!p0 $0x88, s6;
	s7 =	simm.s32 @p2 $0x1082  }
0x22: {  	[simem:s7], [sflag:s8] =	dma.local @!p0 [hbm:s6], $0xF7A  }
0x23: {  	s9 =	sor.u32 $0xD0000000, s2;
	s6 =	simm.s32 $0x108;
	_ =	swait.ge @!p0 [sflag:s8], $0x0  }
0x24: {  	s3 =	sadd.s32 $0x88, s3;
	s6 =	simm.s32 @!p1 $0x1082;
	[sflag:s4] =	ssyncset.s32 $0xFFFFF086  }
0x25: {  	[simem:s6], [sflag:s4] =	dma.local [hbm:s3], $0xF7A  }
0x26: {  	[smem:$0x3F70] =	sst s1;
	(tag) =	ssettag s2;
	_ =	strace s9  }
0x27: {  	s1 =	sld [smem:$0x3F80]  }
0x28: {  	s2 =	sld [smem:$0x3F81]  }
0x29: {  	s4 =	sld [smem:$0x3F83]  }
0x2a: {  	p0 =	seq.s32 s5, $0x0;
	s5 =	sld [smem:$0x3F84]  }
0x2b: {  	s6 =	sld [smem:$0x3F85]  }
0x2c: {  	s7 =	sld [smem:$0x3F86]  }
0x2d: {  	s3 =	simm.s32 $0x108;
	s8 =	sld [smem:$0x3F87]  }
0x2e: {  	s3 =	simm.s32 @!p0 $0x1082;
	s9 =	sld [smem:$0x3F88]  }
0x2f: {  	lr =	sadd.s32 s0, s3;
	s0 =	sld [smem:$0x3F7F]  }
0x30: {  	s3 =	sld [smem:$0x3F82]  }
0x31: {  	[smem:$0x3F8B] =	sst s10  }
0x32: {  	s10 =	sld [smem:$0x3F89];
	_ =	sdelay $0x3  }
0x33: {  	p0 =	seq.s32 s10, $0x1;
	s10 =	sld [smem:$0x3F8B];
	_ =	sdelay $0x3  }
0x34: {  	[smem:$0x3F8B] =	sst s10  }
0x35: {  	s10 =	sld [smem:$0x3F8A];
	_ =	sdelay $0x3  }
0x36: {  	p1 =	seq.s32 s10, $0x1;
	s10 =	sld [smem:$0x3F8B];
	_ =	sdelay $0x3  }
0x37: {  	[smem:$0x3F8B] =	sst s10  }
0x38: {  	s10 =	sld [smem:$0x3F8C]  }
0x39: {  	_ = 	snop;
	(pc) =	sbr.ind lr, $3  }
0x3a: {  	_ = 	snop  }
0x3b: {  	_ = 	snop  }
0x3c: {  	p2 =	seq.s32 s10, $0x1;
	s10 =	sld [smem:$0x3F8B]  }
0x3d: {  	_ =	shalt  }
0x3e: {  	_ =	shalt  }
0x3f: {  	_ =	shalt  }
0x40: {  	_ =	shalt  }
0x41: {  	_ =	shalt  }
0x42: {  	_ =	shalt  }
0x43: {  	_ =	shalt  }
0x44: {  	_ =	shalt  }
0x45: {  	_ =	shalt  }
0x46: {  	_ =	shalt  }
0x47: {  	_ =	shalt  }
0x48: {  	_ =	shalt  }
0x49: {  	_ =	shalt  }
0x4a: {  	_ =	shalt  }
0x4b: {  	_ =	shalt  }
0x4c: {  	_ =	shalt  }
0x4d: {  	_ =	shalt  }
0x4e: {  	_ =	shalt  }
0x4f: {  	_ =	shalt  }
0x50: {  	_ =	shalt  }
0x51: {  	_ =	shalt  }
0x52: {  	_ =	shalt  }
0x53: {  	_ =	shalt  }
0x54: {  	_ =	shalt  }
0x55: {  	_ =	shalt  }
0x56: {  	_ =	shalt  }
0x57: {  	_ =	shalt  }
0x58: {  	_ =	shalt  }
0x59: {  	_ =	shalt  }
0x5a: {  	_ =	shalt  }
0x5b: {  	_ =	shalt  }
0x5c: {  	_ =	shalt  }
0x5d: {  	_ =	shalt  }
0x5e: {  	_ =	shalt  }
0x5f: {  	_ =	shalt  }
0x60: {  	_ =	shalt  }
0x61: {  	_ =	shalt  }
0x62: {  	_ =	shalt  }
0x63: {  	_ =	shalt  }
0x64: {  	_ =	shalt  }
0x65: {  	_ =	shalt  }
0x66: {  	_ =	shalt  }
0x67: {  	_ =	shalt  }
0x68: {  	_ =	shalt  }
0x69: {  	_ =	shalt  }
0x6a: {  	_ =	shalt  }
0x6b: {  	_ =	shalt  }
0x6c: {  	_ =	shalt  }
0x6d: {  	_ =	shalt  }
0x6e: {  	_ =	shalt  }
0x6f: {  	_ =	shalt  }
0x70: {  	_ =	shalt  }
0x71: {  	_ =	shalt  }
0x72: {  	_ =	shalt  }
0x73: {  	_ =	shalt  }
0x74: {  	_ =	shalt  }
0x75: {  	_ =	shalt  }
0x76: {  	_ =	shalt  }
0x77: {  	_ =	shalt  }
0x78: {  	_ =	shalt  }
0x79: {  	_ =	shalt  }
0x7a: {  	_ =	shalt  }
0x7b: {  	_ =	shalt  }
0x7c: {  	_ =	shalt  }
0x7d: {  	_ =	shalt  }
0x7e: {  	_ =	shalt  }
0x7f: {  	_ =	shalt  }
0x80: {  	_ =	shalt  }
0x81: {  	_ =	shalt  }
0x82: {  	_ =	shalt  }
0x83: {  	_ =	shalt  }
0x84: {  	_ =	shalt  }
0x85: {  	_ =	shalt  }
0x86: {  	_ =	shalt  }
0x87: {  	_ =	shalt  }
.Lfunc_end0:
.L_simem_size_0:
called_computation.3_lowered:
.L_overlay_start_0:
0x88: {  	s2 =	sld [smem:$0x3FD9]  }
0x89: {  	s3 =	sld [smem:$0x3FFE];
	_ =	sdelay $0x1  }
0x8a: {  	s1 =	srdreg.scid  }
0x8b: {  	s0 =	sand.u32 $0x1, s1  }
0x8c: {  	s14 =	sshll.u32 s0, $0xA;
	s2 =	sadd.s32 s3, s2  }
0x8d: {  	s2 =	sadd.s32 s2, s14  }
0x8e: {  	[smem:$0x3F97] =	sst s2  }
0x8f: {  	_ = 	snop  }
0x90: {  	s2 =	sld [smem:$0x3FD0];
	_ =	sdelay $0x2  }
0x91: {  	s15 =	simm.s32 $0xA;
	s4 =	simm.s32 $0x10  }
0x92: {  	[smem:s4], [sflag:s15] =	dma.local [hbm:s2], $0x1  }
0x93: {  	_ =	swait.eq [sflag:s15], $0x1  }
0x94: {  	[sflag:s15] =	ssyncset.done $0x0  }
0x95: {  	s16 =	sld [smem:$0x11];
	[sflag:s15] =	ssyncadd.s32 $0xFFFFFFFF  }
0x96: {  	s17 =	sld [smem:$0x13];
	(tm) =	ssettm $0x1  }
0x97: {  	s18 =	sld [smem:$0x3FFB];
	_ =	sdelay $0x3  }
0x98: {  	_ =	strace s18  }
0x99: {  	s4 =	sld [smem:$0x3FFC];
	_ =	sdelay $0x3  }
0x9a: {  	_ =	strace s4  }
0x9b: {  	s4 =	sld [smem:$0x3FFD];
	_ =	sdelay $0x3  }
0x9c: {  	_ =	strace s4  }
0x9d: {  	_ =	strace $0x8FFFFFFF  }
0x9e: {  	s19 =	sld [smem:$0x3FDB];
	_ =	sdelay $0x1  }
0x9f: {  	s5 =	simm.s32 $_scs_section_size  }
0xa0: {  	s6 =	simm.s32 $_size__tile_overlayer_lowered;
	s7 =	simm.s32 $_tile_overlayer_lowered  }
0xa1: {  	s22 =	simm.s32 $0x1BFF;
	s21 =	sshll.u32 s7, $0x1;
	s4 =	sadd.s32 s5, s19  }
0xa2: {  	s8 =	simm.s32 $0x0;
	s20 =	sshll.u32 s6, $0x1;
	s6 =	sadd.s32 s21, s4  }
0xa3: {  	[timem:s8], [sflag:s22] =	dma.local [hbm:s6], s20  }
0xa4: {  	_ =	swait.ge [sflag:s22], s20  }
0xa5: {  	s5 =	ssub.s32 $0x0, s20;
	[sflag:s22] =	ssyncset.done $0x0  }
0xa6: {  	[sflag:s22] =	ssyncadd.s32 s5;
	_ =	sdelay $0x1  }
0xa7: {  	s23 =	simm.s32 $0x1B8B  }
0xa8: {  	_ =	swait.ge [sflag:s23], $0x1  }
0xa9: {  	[sflag:s23] =	ssyncset.done $0x0  }
0xaa: {  	s25 =	simm.s32 $0x1B8E;
	s24 =	sld [smem:$0x3FFE];
	[sflag:s23] =	ssyncadd.s32 $0xFFFFFFFF  }
0xab: {  	s26 =	simm.s32 $execute0_lowered;
	[smem:$0x3FD2] =	sst s25  }
0xac: {  	s6 =	sshll.u32 s26, $0x1;
	_ =	strace $0x8000004F;
	[dreg:$0x1] =	wrdreg $0xFFFFFFFF  }
0xad: {  	s28 =	simm.s32 $_size_execute0_lowered;
	s4 =	sadd.s32 s4, s6;
	[dreg:$0x0] =	wrdreg $0x0  }
0xae: {  	s6 =	sshll.u32 s28, $0x1;
	[dreg:$0x2] =	wrdreg s4  }
0xaf: {  	[dreg:$0x3] =	wrdreg s6  }
0xb0: {  	[dreg:$0x4] =	wrdreg $0xC0  }
0xb1: {  	_ =	task [dreg:s8], $0x5FFFF  }
0xb2: {  	[dreg:$0x1] =	wrdreg $0xFFFFFFFF  }
0xb3: {  	[dreg:$0x0] =	wrdreg $0x60  }
0xb4: {  	[dreg:$0x2] =	wrdreg s16  }
0xb5: {  	[dreg:$0x3] =	wrdreg s17  }
0xb6: {  	[dreg:$0x4] =	wrdreg s24  }
0xb7: {  	[dreg:$0x5] =	wrdreg $0x9  }
0xb8: {  	_ =	task.clear_ibuf [dreg:s8], $0x6FFFF;
	_ =	strace $0x9000004F  }
0xb9: {  	s29 =	simm.s32 $0x9;
	_ =	strace $0x80000051  }
0xba: {  	_ =	swait.ge [sflag:s29], $0x1  }
0xbb: {  	[sflag:s29] =	ssyncadd.s32 $0xFFFFFFFF  }
0xbc: {  	_ =	strace $0x90000051  }
0xbd: {  	_ =	sfence  }
0xbe: {  	s30 =	sld [smem:$0x0];
	_ =	sdelay $0x2  }
0xbf: {  	s31 =	sshll.u32 s1, $0xD;
	s1 =	sshrl.u32 s1, $0x2  }
0xc0: {  	s3 =	sand.u32 $0x4000, s31;
	s1 =	sadd.s32 s1, s30  }
0xc1: {  	s0 =	sor.u32 s3, s0;
	s1 =	sshll.u32 s1, $0x11  }
0xc2: {  	s0 =	sor.u32 s1, s0  }
0xc3: {  	s0 =	sadd.s32 $0x8F2B, s0  }
0xc4: {  	[sflag:s0] =	ssyncadd.remote.s32 $0x1  }
0xc5: {  	_ =	sfence.sel $0xFFFF  }
0xc6: {  	[dreg:$0x0] =	wrdreg $0xFFFFFFFF;
	(pc) =	sbr.abs _section_cstart, $3  }
0xc7: {  	[dreg:$0x1] =	wrdreg $0xFFFFFFFF  }
0xc8: {  	_ =	task.clear_ibuf [dreg:s8], $0x2FFFF;
	_ =	strace $0x9FFFFFFF  }
0xc9: {  	(tm) =	ssettm $0x7FFFFFFF  }
tec
execute0_lowered:
.L_overlay_start_1:
0x0: {  	(tag) =	ssettag $0x1  }
0x1: {  	s1 =	rddreg [dreg:$0x0];
	s2 =	srdreg.scid  }
0x2: {  	s4 =	rddreg [dreg:$0x1];
	s0 =	stileid.u32;
	s20 =	sand.u32 $0x1, s2  }
0x3: {  	s22 =	rddreg [dreg:$0x2];
	s5 =	sshll.u32 s0, $0xB;
	s6 =	sshll.u32 s20, $0xA  }
0x4: {  	s3 =	simm.s32 $0x0;
	s2 =	rddreg [dreg:$0x3];
	s23 =	sor.u32 s6, s5  }
0x5: {  	[smem:$0x7FF] =	sst s3;
	s5 =	sshrl.u32 s23, $0x3  }
0x6: {  	_ =	strace $0x80000050;
	s5 =	sadd.s32 s4, s5;
	s4 =	simm.s32 $0x2  }
0x7: {  	[tilespmem:s3], [sflag:$0x2] =	stream.linear.gather [hbm4b:s5+s3], $0x400, $0x38;
	[tilespmem:$0x10400] =	vst v63  }
0x8: {  	_ =	swait.ge [sflag:s4], $0x400  }
0x9: {  	s7 =	simm.s32 $0x400;
	[sflag:s4] =	ssyncset.done $0x0  }
0xa: {  	s8 =	simm.s32 $0x1;
	s6 =	simm.s32 $0x80;
	[sflag:s4] =	ssyncadd.s32 $0xFFFFFC00  }
0xb: {  	[tilespmem:s7], [sflag:$0x1] =	stream.indirect.gather [hbm4b:s1+s6], $0x40, s3, s6, $0xb8;
	[tilespmem:$0x10400] =	vst v63  }
0xc: {  	_ =	swait.ge [sflag:s8], $0x2000  }
0xd: {  	[sflag:s8] =	ssyncset.done $0x0  }
0xe: {  	s9 =	simm.s32 $0x2400;
	[sflag:s8] =	ssyncadd.s32 $0xFFFFE000  }
0xf: {  	[tilespmem:s9], [sflag:$0x1] =	stream.indirect.gather [hbm4b:s1+s6], $0x40, s6, s6, $0xb8;
	[tilespmem:$0x10400] =	vst v63  }
0x10: {  	_ =	swait.ge [sflag:s8], $0x2000  }
0x11: {  	[sflag:s8] =	ssyncset.done $0x0  }
0x12: {  	s10 =	simm.s32 $0x100;
	s11 =	simm.s32 $0x4400;
	[sflag:s8] =	ssyncadd.s32 $0xFFFFE000  }
0x13: {  	[tilespmem:s11], [sflag:$0x1] =	stream.indirect.gather [hbm4b:s1+s6], $0x40, s10, s6, $0xb8;
	[tilespmem:$0x10400] =	vst v63  }
0x14: {  	_ =	swait.ge [sflag:s8], $0x2000  }
0x15: {  	[sflag:s8] =	ssyncset.done $0x0  }
0x16: {  	s12 =	simm.s32 $0x180;
	s13 =	simm.s32 $0x6400;
	[sflag:s8] =	ssyncadd.s32 $0xFFFFE000  }
0x17: {  	[tilespmem:s13], [sflag:$0x1] =	stream.indirect.gather [hbm4b:s1+s6], $0x40, s12, s6, $0xb8;
	[tilespmem:$0x10400] =	vst v63  }
0x18: {  	_ =	swait.ge [sflag:s8], $0x2000  }
0x19: {  	[sflag:s8] =	ssyncset.done $0x0  }
0x1a: {  	s14 =	simm.s32 $0x200;
	s15 =	simm.s32 $0x8400;
	[sflag:s8] =	ssyncadd.s32 $0xFFFFE000  }
0x1b: {  	[tilespmem:s15], [sflag:$0x1] =	stream.indirect.gather [hbm4b:s1+s6], $0x40, s14, s6, $0xb8;
	[tilespmem:$0x10400] =	vst v63  }
0x1c: {  	_ =	swait.ge [sflag:s8], $0x2000  }
0x1d: {  	[sflag:s8] =	ssyncset.done $0x0  }
0x1e: {  	s16 =	simm.s32 $0x280;
	s17 =	simm.s32 $0xA400;
	[sflag:s8] =	ssyncadd.s32 $0xFFFFE000  }
0x1f: {  	[tilespmem:s17], [sflag:$0x1] =	stream.indirect.gather [hbm4b:s1+s6], $0x40, s16, s6, $0xb8;
	[tilespmem:$0x10400] =	vst v63  }
0x20: {  	_ =	swait.ge [sflag:s8], $0x2000  }
0x21: {  	s18 =	simm.s32 $0x300;
	s19 =	simm.s32 $0xC400;
	[sflag:s8] =	ssyncset.done $0x0  }
0x22: {  	s21 =	simm.s32 $0xE400;
	s24 =	ssub.s32 $0x2, s20;
	[sflag:s8] =	ssyncadd.s32 $0xFFFFE000  }
0x23: {  	[tilespmem:s19], [sflag:$0x1] =	stream.indirect.gather [hbm4b:s1+s6], $0x40, s18, s6, $0xb8;
	[tilespmem:$0x10400] =	vst v63  }
0x24: {  	s20 =	simm.s32 $0x380;
	s25 =	sshrl.u32 s24, $0x1;
	_ =	swait.ge [sflag:s8], $0x2000  }
0x25: {  	s23 =	sshll.u32 s23, $0x3;
	s31 =	ssub.s32 s24, s25;
	[sflag:s8] =	ssyncset.done $0x0  }
0x26: {  	s22 =	sadd.s32 s23, s22;
	s23 =	smax.u32 s31, $0x1;
	[sflag:s8] =	ssyncadd.s32 $0xFFFFE000  }
0x27: {  	[tilespmem:s21], [sflag:$0x1] =	stream.indirect.gather [hbm4b:s1+s6], $0x40, s20, s6, $0xb8;
	[tilespmem:$0x10400] =	vst v63  }
0x28: {  	p0 =	sne.s32 s23, $0x1;
	_ =	swait.ge [sflag:s8], $0x2000  }
.Ltmp0:
0x29: {  	[sflag:s8] =	ssyncset.done $0x0;
	(pc) =	sbr.rel @!p0 .LBB2_2-.Ltmp0, $4  }
0x2a: {  	s22 =	sadd.s32 $0x200, s22;
	[sflag:s8] =	ssyncadd.s32 $0xFFFFE000  }
0x2b: {  	[hbm4b:s22+s3] =	stream.linear.scatter [tilespmem:s7], [sflag:$0x2], $0x10000, $0x38;
	[tilespmem:$0x10400] =	vst v63  }
0x2c: {  	_ =	swait.ge [sflag:s4], $0x10000  }
0x2d: {  	s23 =	sadd.s32 $0xFFFFFFFF, s23;
	[sflag:s4] =	ssyncset.done $0x0  }
.LBB2_1:
0x2e: {  	p0 =	sne.s32 s23, $0x1;
	s23 =	sadd.s32 $0xFFFFFFFF, s23;
	[sflag:s4] =	ssyncadd.s32 $0xFFFF0000  }
0x2f: {  	[tilespmem:s3], [sflag:$0x2] =	stream.linear.gather [hbm4b:s5+s3], $0x400, $0x38;
	[tilespmem:$0x10400] =	vst v63  }
0x30: {  	_ =	swait.ge [sflag:s4], $0x400  }
0x31: {  	[sflag:s4] =	ssyncset.done $0x0  }
0x32: {  	[sflag:s4] =	ssyncadd.s32 $0xFFFFFC00  }
0x33: {  	[tilespmem:s7], [sflag:$0x1] =	stream.indirect.gather [hbm4b:s1+s6], $0x40, s3, s6, $0xb8;
	[tilespmem:$0x10400] =	vst v63  }
0x34: {  	_ =	swait.ge [sflag:s8], $0x2000  }
0x35: {  	[sflag:s8] =	ssyncset.done $0x0  }
0x36: {  	[sflag:s8] =	ssyncadd.s32 $0xFFFFE000  }
0x37: {  	[tilespmem:s9], [sflag:$0x1] =	stream.indirect.gather [hbm4b:s1+s6], $0x40, s6, s6, $0xb8;
	[tilespmem:$0x10400] =	vst v63  }
0x38: {  	_ =	swait.ge [sflag:s8], $0x2000  }
0x39: {  	[sflag:s8] =	ssyncset.done $0x0  }
0x3a: {  	[sflag:s8] =	ssyncadd.s32 $0xFFFFE000  }
0x3b: {  	[tilespmem:s11], [sflag:$0x1] =	stream.indirect.gather [hbm4b:s1+s6], $0x40, s10, s6, $0xb8;
	[tilespmem:$0x10400] =	vst v63  }
0x3c: {  	_ =	swait.ge [sflag:s8], $0x2000  }
0x3d: {  	[sflag:s8] =	ssyncset.done $0x0  }
0x3e: {  	[sflag:s8] =	ssyncadd.s32 $0xFFFFE000  }
0x3f: {  	[tilespmem:s13], [sflag:$0x1] =	stream.indirect.gather [hbm4b:s1+s6], $0x40, s12, s6, $0xb8;
	[tilespmem:$0x10400] =	vst v63  }
0x40: {  	_ =	swait.ge [sflag:s8], $0x2000  }
0x41: {  	[sflag:s8] =	ssyncset.done $0x0  }
0x42: {  	[sflag:s8] =	ssyncadd.s32 $0xFFFFE000  }
0x43: {  	[tilespmem:s15], [sflag:$0x1] =	stream.indirect.gather [hbm4b:s1+s6], $0x40, s14, s6, $0xb8;
	[tilespmem:$0x10400] =	vst v63  }
0x44: {  	_ =	swait.ge [sflag:s8], $0x2000  }
0x45: {  	[sflag:s8] =	ssyncset.done $0x0  }
0x46: {  	[sflag:s8] =	ssyncadd.s32 $0xFFFFE000  }
0x47: {  	[tilespmem:s17], [sflag:$0x1] =	stream.indirect.gather [hbm4b:s1+s6], $0x40, s16, s6, $0xb8;
	[tilespmem:$0x10400] =	vst v63  }
0x48: {  	_ =	swait.ge [sflag:s8], $0x2000  }
0x49: {  	[sflag:s8] =	ssyncset.done $0x0  }
0x4a: {  	[sflag:s8] =	ssyncadd.s32 $0xFFFFE000  }
0x4b: {  	[tilespmem:s19], [sflag:$0x1] =	stream.indirect.gather [hbm4b:s1+s6], $0x40, s18, s6, $0xb8;
	[tilespmem:$0x10400] =	vst v63  }
0x4c: {  	_ =	swait.ge [sflag:s8], $0x2000  }
0x4d: {  	[sflag:s8] =	ssyncset.done $0x0  }
0x4e: {  	[sflag:s8] =	ssyncadd.s32 $0xFFFFE000  }
0x4f: {  	[tilespmem:s21], [sflag:$0x1] =	stream.indirect.gather [hbm4b:s1+s6], $0x40, s20, s6, $0xb8;
	[tilespmem:$0x10400] =	vst v63  }
0x50: {  	_ =	swait.ge [sflag:s8], $0x2000  }
.Ltmp1:
0x51: {  	[sflag:s8] =	ssyncset.done $0x0;
	(pc) =	sbr.rel @p0 .LBB2_1-.Ltmp1, $4  }
0x52: {  	[sflag:s8] =	ssyncadd.s32 $0xFFFFE000  }
0x53: {  	[hbm4b:s22+s3] =	stream.linear.scatter [tilespmem:s7], [sflag:$0x2], $0x10000, $0x38;
	[tilespmem:$0x10400] =	vst v63  }
0x54: {  	_ =	swait.ge [sflag:s4], $0x10000  }
0x55: {  	[sflag:s4] =	ssyncset.done $0x0  }
.LBB2_2:
0x56: {  	[sflag:s4] =	ssyncadd.s32 $0xFFFF0000  }
0x57: {  	_ =	sfence.sel $0x180000  }
0x58: {  	[bflag:$0x0] =	sbarrier.arrive $0xFFFF  }
0x59: {  	p0 =	sne.s32 s0, $0x0;
	_ =	strace $0x90000050  }
0x5a: {  	s0 =	sadd.s32 @!p0 $0x100000, s2;
	[bflag:$0x2] =	sbarrier.arrive $0xFFFF  }
0x5b: {  	[sflag:s0] =	ssyncadd.tile.s32 @!p0 $0x1;
	_ =	shalt  }
.Lfunc_end2:
_tile_overlayer_lowered:
.L_overlay_start_2:
0x5c: {  	(tag) =	ssettag $0x2  }
0x5d: {  	s0 =	rddreg [dreg:$0x0];
	s2 =	stileid.u32  }
0x5e: {  	s1 =	rddreg [dreg:$0x1];
	p0 =	sne.s32 s2, $0x0  }
0x5f: {  	s3 =	rddreg [dreg:$0x2];
	[bflag:$0x3] =	sbarrier.arrive $0xFFFF;
	s2 =	simm.s32 @!p0 $0x1C02  }
0x60: {  	[timem:s3], [sflag:s2] =	dma.local @!p0 [hbm:s0], s1  }
0x61: {  	s0 =	simm.s32 @!p0 $0x2  }
0x62: {  	_ =	swait.ge @!p0 [sflag:s0], s1  }
0x63: {  	s1 =	ssub.s32 @!p0 $0x0, s1;
	[sflag:s0] =	ssyncset.done @!p0 $0x0  }
0x64: {  	[sflag:s0] =	ssyncadd.s32 @!p0 s1  }
0x65: {  	[bflag:$0x3] =	sbarrier.arrive $0xFFFF  }
0x66: {  	_ =	shalt  }

// kernel: sparse-core-data-format-call.cloned.1.call-start
scs
called_computation_lowered:
.L_overlay_start_0:
0x0: {  	s1 =	sld [smem:$0x3FD9]  }
0x1: {  	s2 =	sld [smem:$0x3FFE];
	_ =	sdelay $0x1  }
0x2: {  	s3 =	srdreg.scid  }
0x3: {  	s0 =	sand.u32 $0x1, s3  }
0x4: {  	s17 =	sshll.u32 s0, $0xA;
	s1 =	sadd.s32 s2, s1  }
0x5: {  	s1 =	sadd.s32 s1, s17  }
0x6: {  	[smem:$0x3F97] =	sst s1  }
0x7: {  	_ = 	snop  }
0x8: {  	(tm) =	ssettm $0x1  }
0x9: {  	s18 =	sld [smem:$0x3FFB];
	_ =	sdelay $0x3  }
0xa: {  	_ =	strace s18  }
0xb: {  	s1 =	sld [smem:$0x3FFC];
	_ =	sdelay $0x3  }
0xc: {  	_ =	strace s1  }
0xd: {  	s1 =	sld [smem:$0x3FFD];
	_ =	sdelay $0x3  }
0xe: {  	_ =	strace s1  }
0xf: {  	_ =	strace $0x8FFFFFFF  }
0x10: {  	s19 =	sld [smem:$0x3FDB];
	_ =	sdelay $0x1  }
0x11: {  	s20 =	simm.s32 $_scs_section_size  }
0x12: {  	s4 =	simm.s32 $_size__tile_overlayer_lowered;
	s5 =	simm.s32 $_tile_overlayer_lowered  }
0x13: {  	s23 =	simm.s32 $0x1BFF;
	s22 =	sshll.u32 s5, $0x1;
	s1 =	sadd.s32 s20, s19  }
0x14: {  	s6 =	simm.s32 $0x0;
	s21 =	sshll.u32 s4, $0x1;
	s4 =	sadd.s32 s22, s1  }
0x15: {  	[timem:s6], [sflag:s23] =	dma.local [hbm:s4], s21  }
0x16: {  	_ =	swait.ge [sflag:s23], s21  }
0x17: {  	s2 =	ssub.s32 $0x0, s21;
	[sflag:s23] =	ssyncset.done $0x0  }
0x18: {  	[sflag:s23] =	ssyncadd.s32 s2;
	_ =	sdelay $0x1  }
0x19: {  	s24 =	simm.s32 $0x1B8B  }
0x1a: {  	_ =	swait.ge [sflag:s24], $0x1  }
0x1b: {  	[sflag:s24] =	ssyncset.done $0x0  }
0x1c: {  	s26 =	simm.s32 $0x1B8E;
	s25 =	sld [smem:$0x3FFE];
	[sflag:s24] =	ssyncadd.s32 $0xFFFFFFFF  }
0x1d: {  	s27 =	simm.s32 $execute0_lowered;
	[smem:$0x3FD2] =	sst s26  }
0x1e: {  	s4 =	sshll.u32 s27, $0x1;
	_ =	strace $0x80000049;
	[dreg:$0x1] =	wrdreg $0xFFFFFFFF  }
0x1f: {  	s28 =	simm.s32 $_size_execute0_lowered;
	s1 =	sadd.s32 s1, s4;
	[dreg:$0x0] =	wrdreg $0x0  }
0x20: {  	s4 =	sshll.u32 s28, $0x1;
	[dreg:$0x2] =	wrdreg s1  }
0x21: {  	[dreg:$0x3] =	wrdreg s4  }
0x22: {  	[dreg:$0x4] =	wrdreg $0xC0  }
0x23: {  	_ =	task [dreg:s6], $0x5FFFF  }
0x24: {  	[dreg:$0x1] =	wrdreg $0xFFFFFFFF  }
0x25: {  	[dreg:$0x0] =	wrdreg $0x60  }
0x26: {  	[dreg:$0x2] =	wrdreg s25  }
0x27: {  	[dreg:$0x3] =	wrdreg $0x9  }
0x28: {  	_ =	task.clear_ibuf [dreg:s6], $0x4FFFF;
	_ =	strace $0x90000049  }
0x29: {  	s29 =	simm.s32 $0x9;
	_ =	strace $0x8000004B  }
0x2a: {  	_ =	swait.ge [sflag:s29], $0x1  }
0x2b: {  	[sflag:s29] =	ssyncadd.s32 $0xFFFFFFFF  }
0x2c: {  	_ =	strace $0x9000004B  }
0x2d: {  	_ =	sfence  }
0x2e: {  	s30 =	sld [smem:$0x0];
	_ =	sdelay $0x2  }
0x2f: {  	s31 =	sshll.u32 s3, $0xD;
	s3 =	sshrl.u32 s3, $0x2  }
0x30: {  	s2 =	sand.u32 $0x4000, s31;
	s1 =	sadd.s32 s3, s30  }
0x31: {  	s0 =	sor.u32 s2, s0;
	s1 =	sshll.u32 s1, $0x11  }
0x32: {  	s0 =	sor.u32 s1, s0  }
0x33: {  	s0 =	sadd.s32 $0x8F2B, s0  }
0x34: {  	[sflag:s0] =	ssyncadd.remote.s32 $0x1  }
0x35: {  	_ =	sfence.sel $0xFFFF  }
0x36: {  	[dreg:$0x0] =	wrdreg $0xFFFFFFFF;
	(pc) =	sbr.abs _section_cstart, $3  }
0x37: {  	[dreg:$0x1] =	wrdreg $0xFFFFFFFF  }
0x38: {  	_ =	task.clear_ibuf [dreg:s6], $0x2FFFF;
	_ =	strace $0x9FFFFFFF  }
0x39: {  	(tm) =	ssettm $0x7FFFFFFF  }
tec
execute0_lowered:
.L_overlay_start_1:
0x0: {  	(tag) =	ssettag $0x1  }
0x1: {  	s0 =	stileid.u32;
	s1 =	srdreg.scid  }
0x2: {  	s4 =	rddreg [dreg:$0x0];
	s7 =	simm.s32 $0x1;
	s31 =	simm.s32 $0x2  }
0x3: {  	s16 =	simm.s32 $0x0;
	s2 =	sshll.u32 s0, $0x5;
	s1 =	sshll.u32 s1, $0x9  }
0x4: {  	s9 =	simm.s32 $0x2000;
	s14 =	simm.s32 $0x0;
	s1 =	sor.u32 s2, s1  }
0x5: {  	s15 =	simm.s32 $0x0;
	s10 =	simm.s32 $0x0;
	s2 =	sand.u32 $0x380, s1  }
0x6: {  	s13 =	simm.s32 $0x0;
	s3 =	sadd.s32 $0x110200, s4;
	s5 =	ssub.s32 $0x400, s2  }
0x7: {  	s4 =	sadd.s32 $0x510200, s4;
	s1 =	rddreg [dreg:$0x1];
	s6 =	sand.u32 $0x380, s5  }
.Ltmp0:
0x8: {  	_ =	strace $0x8000004A;
	p0 =	sne.s32 s6, $0x0;
	(pc) =	sbr.rel .LBB1_1-.Ltmp0, $4  }
0x9: {  	s11 =	smov.u32 s2;
	s8 =	sshrl.u32 s5, $0xA;
	s7 =	simm.s32 @!p0 $0x0  }
0xa: {  	s5 =	sand.u32 $0x3, s0;
	s6 =	simm.s32 $0x1;
	s7 =	sadd.s32 s7, s8  }
0xb: {  	s12 =	smov.u32 s5;
	[sflag:s6] =	ssyncpa.u1 $0x0;
	s7 =	sshll.u32 s7, $0x6  }
0xc: {  	p0 =	por $0x0, $0x0;
	[sflag:s31] =	ssyncpa.u1 $0x0;
	s8 =	sor.u32 $0x1, s7  }
.LBB1_4:
0xd: {  	v5 =	vld [tilespmem:s20+$0xFFFFFFD0];
	[tilespmem:s19+$0x2040 ss:$0x81] =	vst.msk $0xffff, v1  }
0xe: {  	v58 =	vld [tilespmem:s20+$0xFFFFFFE0];
	[tilespmem:s19+$0x2850 ss:$0x81] =	vst.msk $0xffff, v2  }
0xf: {  	s21 =	sshra.s32 s21, $0x2;
	v59 =	vld [tilespmem:s20+$0xFFFFFFF0];
	[tilespmem:s19+$0x3060 ss:$0x81] =	vst.msk $0xffff, v3  }
0x10: {  	v60 =	vld [tilespmem:s20+$0x0];
	[tilespmem:s19+$0x0 ss:$0x81] =	vst.msk $0xffff, v0;
	s18 =	sadd.s32 s21, s18  }
0x11: {  	v61 =	vld [tilespmem:s20+$0x10];
	[tilespmem:s18+$0x3870 ss:$0x81] =	vst.msk $0xffff, v4  }
0x12: {  	v62 =	vld [tilespmem:s20+$0x20];
	s26 =	sshll.u32 s16, $0xA;
	s27 =	sshll.u32 s14, $0x3;
	[tilespmem:s18+$0x810 ss:$0x81] =	vst.msk $0xffff, v5  }
0x13: {  	v63 =	vld [tilespmem:s20+$0xFFFFFFC0];
	s29 =	sshll.u32 s16, $0x7;
	s30 =	sand.u32 $0x78, s14;
	s15 =	sshll.u32 s15, $0x14;
	[tilespmem:s18+$0x1020 ss:$0x81] =	vst.msk $0xffff, v58  }
0x14: {  	s19 =	sand.u32 $0x7FE000, s26;
	s28 =	sand.u32 $0x7FFC00, s27;
	s16 =	sand.u32 $0x380, s29;
	[tilespmem:s18+$0x1830 ss:$0x81] =	vst.msk $0xffff, v59  }
0x15: {  	s31 =	sand.u32 $0x7, s14;
	s19 =	sadd.s32 s28, s19;
	s16 =	sor.u32 s30, s16;
	[tilespmem:s18+$0x2040 ss:$0x81] =	vst.msk $0xffff, v60  }
0x16: {  	s15 =	sadd.s32 s4, s15;
	s19 =	sshrl.u32 s19, $0x3;
	s16 =	sshrl.u32 s16, $0x3;
	[tilespmem:s18+$0x2850 ss:$0x81] =	vst.msk $0xffff, v61  }
0x17: {  	s14 =	sshll.u32 s31, $0x12;
	s19 =	sand.u32 $0xFFF80, s19;
	s15 =	sadd.s32 s16, s15;
	[tilespmem:s18+$0x3060 ss:$0x81] =	vst.msk $0xffff, v62  }
0x18: {  	s14 =	sor.u32 $0x400, s14;
	[tilespmem:s18+$0x0 ss:$0x81] =	vst.msk $0xffff, v63;
	s15 =	sadd.s32 s19, s15  }
0x19: {  	[hbm4b:s15+s14] =	stream.strided.scatter [tilespmem:s17], [sflag:$0x2], $0x4000, s9, s14, $0x20;
	[tilespmem:$0x10100] =	vst v63  }
.LBB1_5:
0x1a: {  	s17 =	sadd.s32 $0x80, s10  }
0x1b: {  	s14 =	sadd.s32 $0x400, s11;
	s18 =	smov.u32 s11;
	p2 =	sgt.s32 s17, $0x1FFF  }
0x1c: {  	s18 =	smov.u32 @p2 s14  }
0x1d: {  	s20 =	smov.u32 s12;
	s14 =	sadd.s32 $0x4, s12;
	p3 =	sgt.s32 s18, $0x3FF  }
0x1e: {  	s20 =	smov.u32 @p3 s14  }
0x1f: {  	s17 =	simm.s32 @p2 $0x0;
	p2 =	sgt.s32 s20, $0x3  }
0x20: {  	p1 =	slt.u32 s13, $0x2;
	s20 =	smov.u32 @p2 s5;
	p2 =	sne.s32 s13, s8  }
.Ltmp1:
0x21: {  	s19 =	simm.s32 @!p1 $0x2;
	(pc) =	sbr.rel @!p2 .LBB1_6-.Ltmp1, $4  }
0x22: {  	s16 =	smov.u32 s10;
	s15 =	smov.u32 s12;
	_ =	swait.ge @!p1 [sflag:s19], $0x4000  }
0x23: {  	p0 =	por !p0, !p0;
	[sflag:s19] =	ssyncset.done @!p1 $0x0;
	s10 =	smov.u32 s17  }
0x24: {  	s18 =	smov.u32 @p3 s2;
	s14 =	smov.u32 s11;
	[sflag:s19] =	ssyncadd.s32 @!p1 $0xFFFFC000  }
0x25: {  	s11 =	smov.u32 s18;
	s13 =	sadd.s32 $0x1, s13;
	s12 =	smov.u32 s20  }
.LBB1_1:
0x26: {  	p1 =	sge.u32 s13, s7;
	s31 =	sadd.s32 $0xFFFFFFFF, s13  }
0x27: {  	s17 =	sxor.u32 @!p1 $0xFFFFFFFF, s13;
	s18 =	sand.u32 @!p1 $0x78, s10;
	s19 =	sshll.u32 @!p1 s11, $0xD  }
0x28: {  	s20 =	sshll.u32 @!p1 s11, $0x7;
	s21 =	sshll.u32 @!p1 s10, $0x3;
	s17 =	sshll.u32 @!p1 s17, $0xE  }
0x29: {  	s19 =	sand.u32 @!p1 $0x7F0000, s19;
	s20 =	sand.u32 @!p1 $0x380, s20;
	s17 =	sand.u32 @!p1 $0x4000, s17  }
0x2a: {  	s19 =	sadd.s32 @!p1 s19, s21;
	s21 =	sand.u32 @!p1 $0x1C00, s21;
	s18 =	sor.u32 @!p1 s20, s18  }
0x2b: {  	s20 =	sshll.u32 @!p1 s12, $0x14;
	s18 =	sor.u32 @!p1 s21, s18;
	s19 =	sshrl.u32 @!p1 s19, $0x3  }
0x2c: {  	s20 =	sadd.s32 @!p1 s3, s20;
	s21 =	sand.u32 @!p1 $0x7, s10;
	s19 =	sand.u32 @!p1 $0xFFC00, s19  }
0x2d: {  	s18 =	sshrl.u32 @!p1 s18, $0x3;
	s19 =	sadd.s32 @!p1 s19, s20;
	s20 =	sshll.u32 @!p1 s21, $0x12  }
0x2e: {  	s18 =	sadd.s32 @!p1 s18, s19;
	s19 =	sor.u32 @!p1 $0x400, s20;
	s20 =	simm.s32 @!p1 $0x10000  }
0x2f: {  	[tilespmem:s17], [sflag:$0x1] =	stream.strided.gather @!p1 [hbm4b:s18+s19], $0x4000, s20, s19, $0x38;
	[tilespmem:$0x10100] =	vst v63  }
0x30: {  	p1 =	sge.u32 s31, s7  }
.Ltmp2:
0x31: {  	_ = 	snop;
	(pc) =	sbr.rel @p1 .LBB1_5-.Ltmp2, $1  }
0x32: {  	_ =	sdelay $0x3  }
0x33: {  	s17 =	simm.s32 $0x1  }
0x34: {  	_ =	swait.ge [sflag:s6], $0x4000;
	s17 =	simm.s32 @!p0 $0x0  }
0x35: {  	[sflag:s6] =	ssyncset.done $0x0;
	s18 =	sshll.u32 s17, $0xE  }
0x36: {  	[sflag:s6] =	ssyncadd.s32 $0xFFFFC000;
	s20 =	sor.u32 $0x40, s18  }
0x37: {  	s17 =	smul.u32 $0x10200, s17;
	v0 =	vld [tilespmem:s20+$0x30]  }
0x38: {  	v3 =	vld [tilespmem:s20+$0xFFFFFFD0]  }
0x39: {  	s17 =	sshrl.u32 s17, $0x2;
	v4 =	vld [tilespmem:s20+$0xFFFFFFE0]  }
0x3a: {  	v5 =	vld [tilespmem:s20+$0xFFFFFFF0];
	s18 =	sor.u32 $0x8000, s17  }
0x3b: {  	s31 =	sand.u32 $0x1, s13;
	v1 =	vld [tilespmem:s20+$0x0];
	s19 =	sadd.s32 $0x0, s18  }
0x3c: {  	v2 =	vld [tilespmem:s20+$0x10];
	s17 =	smul.u32 $0x10200, s31;
	[tilespmem:s19+$0x3870 ss:$0x81] =	vst.msk $0xffff, v0  }
0x3d: {  	[tilespmem:s19+$0x810 ss:$0x81] =	vst.msk $0xffff, v3;
	v3 =	vld [tilespmem:s20+$0x20]  }
0x3e: {  	s17 =	sshrl.u32 s17, $0x2;
	v0 =	vld [tilespmem:s20+$0xFFFFFFC0];
	[tilespmem:s19+$0x1020 ss:$0x81] =	vst.msk $0xffff, v4;
	s20 =	sadd.s32 $0x80, s20  }
0x3f: {  	s21 =	simm.s32 $0x4;
	s22 =	simm.s32 $0x8;
	s17 =	sor.u32 $0x8000, s17;
	[tilespmem:s19+$0x1830 ss:$0x81] =	vst.msk $0xffff, v5;
	v4 =	vld [tilespmem:s20+$0x30]  }
.LBB1_3:
0x40: {  	p1 =	sne.s32 s22, $0x1FC;
	v5 =	vld [tilespmem:s20+$0xFFFFFFD0];
	[tilespmem:s19+$0x2040 ss:$0x81] =	vst.msk $0xffff, v1  }
0x41: {  	v6 =	vld [tilespmem:s20+$0xFFFFFFE0];
	[tilespmem:s19+$0x2850 ss:$0x81] =	vst.msk $0xffff, v2  }
0x42: {  	s23 =	sshra.s32 s21, $0x2;
	s21 =	smov.u32 s22;
	v7 =	vld [tilespmem:s20+$0xFFFFFFF0];
	[tilespmem:s19+$0x3060 ss:$0x81] =	vst.msk $0xffff, v3  }
.Ltmp3:
0x43: {  	v1 =	vld [tilespmem:s20+$0x0];
	[tilespmem:s19+$0x0 ss:$0x81] =	vst.msk $0xffff, v0;
	s19 =	sadd.s32 s23, s18;
	(pc) =	sbr.rel @p1 .LBB1_3-.Ltmp3, $4  }
0x44: {  	v2 =	vld [tilespmem:s20+$0x10];
	[tilespmem:s19+$0x3870 ss:$0x81] =	vst.msk $0xffff, v4  }
0x45: {  	[tilespmem:s19+$0x810 ss:$0x81] =	vst.msk $0xffff, v5;
	v3 =	vld [tilespmem:s20+$0x20]  }
0x46: {  	v0 =	vld [tilespmem:s20+$0xFFFFFFC0];
	[tilespmem:s19+$0x1020 ss:$0x81] =	vst.msk $0xffff, v6;
	s20 =	sadd.s32 $0x80, s20  }
0x47: {  	s22 =	sadd.s32 $0x4, s22;
	v4 =	vld [tilespmem:s20+$0x30];
	[tilespmem:s19+$0x1830 ss:$0x81] =	vst.msk $0xffff, v7  }
.Ltmp4:
0x48: {  	_ = 	snop;
	(pc) =	sbr.rel .LBB1_4-.Ltmp4, $1  }
0x49: {  	_ =	sdelay $0x3  }
.LBB1_6:
0x4a: {  	_ =	sfence.sel $0x180000  }
0x4b: {  	s2 =	simm.s32 $0x1;
	[bflag:$0x0] =	sbarrier.arrive $0xFFFF  }
0x4c: {  	s31 =	simm.s32 $0x2;
	[sflag:s2] =	ssyncpa.u1 $0x1  }
0x4d: {  	[sflag:s31] =	ssyncpa.u1 $0x1  }
0x4e: {  	p0 =	sne.s32 s0, $0x0;
	_ =	strace $0x9000004A  }
0x4f: {  	s0 =	sadd.s32 @!p0 $0x100000, s1;
	[bflag:$0x2] =	sbarrier.arrive $0xFFFF  }
0x50: {  	[sflag:s0] =	ssyncadd.tile.s32 @!p0 $0x1;
	_ =	shalt  }
.Lfunc_end1:
_tile_overlayer_lowered:
.L_overlay_start_2:
0x51: {  	(tag) =	ssettag $0x2  }
0x52: {  	s0 =	rddreg [dreg:$0x0];
	s2 =	stileid.u32  }
0x53: {  	s1 =	rddreg [dreg:$0x1];
	p0 =	sne.s32 s2, $0x0  }
0x54: {  	s3 =	rddreg [dreg:$0x2];
	[bflag:$0x3] =	sbarrier.arrive $0xFFFF;
	s2 =	simm.s32 @!p0 $0x1C01  }
0x55: {  	[timem:s3], [sflag:s2] =	dma.local @!p0 [hbm:s0], s1  }
0x56: {  	s0 =	simm.s32 @!p0 $0x1  }
0x57: {  	_ =	swait.ge @!p0 [sflag:s0], s1  }
0x58: {  	s1 =	ssub.s32 @!p0 $0x0, s1;
	[sflag:s0] =	ssyncset.done @!p0 $0x0  }
0x59: {  	[sflag:s0] =	ssyncadd.s32 @!p0 s1  }
0x5a: {  	[bflag:$0x3] =	sbarrier.arrive $0xFFFF  }
0x5b: {  	_ =	shalt  }

</sc_bundles>
